<compile_context>
chip_gen: v7x
topology: tpu7x:2x2x1
jax: 0.10.2.dev20260603
libtpu: 0.0.44.dev20260713+nightly
codegen_flags: <defaults>
</compile_context>

<pallas_src>
import functools

import jax
import jax.numpy as jnp
from jax import lax
from jax.experimental import pallas as pl
from jax.experimental.pallas import tpu as pltpu
from jax.experimental.pallas import tpu_sc as plsc


def _sc_gather(table, idx):
    n = idx.shape[0]
    d = table.shape[1]
    info = plsc.get_sparse_core_info()
    nw = info.num_cores * info.num_subcores
    n_per_w = n // nw
    mesh = plsc.VectorSubcoreMesh(core_axis_name="c", subcore_axis_name="s")

    @functools.partial(
        pl.kernel,
        mesh=mesh,
        out_type=jax.ShapeDtypeStruct((n, d), jnp.float32),
        scratch_types=[
            pltpu.VMEM((n_per_w,), jnp.int32),
            pltpu.VMEM((n_per_w, d), jnp.float32),
            pltpu.SemaphoreType.DMA,
        ],
    )
    def gather_kernel(table_hbm, idx_hbm, out_hbm, idx_v, rows_v, sem):
        wid = lax.axis_index("s") * info.num_cores + lax.axis_index("c")
        base = wid * n_per_w
        pltpu.sync_copy(idx_hbm.at[pl.ds(base, n_per_w)], idx_v)
        pltpu.async_copy(table_hbm.at[idx_v], rows_v, sem).wait()
        pltpu.sync_copy(rows_v, out_hbm.at[pl.ds(base, n_per_w)])

    return gather_kernel(table, idx)


def _mm_body(a_ref, w_ref, b_ref, o_ref):
    acc = (
        jnp.dot(
            a_ref[...].astype(jnp.bfloat16),
            w_ref[...].astype(jnp.bfloat16),
            preferred_element_type=jnp.float32,
        )
        + b_ref[...]
    )
    o_ref[...] = acc.astype(o_ref.dtype)


def _matmul_bias(a, w_t, bias, block_m=2048, block_n=512,
                 out_dtype=jnp.float32, gate_perm=False):
    m, k = a.shape
    n = w_t.shape[1]

    if gate_perm:
        assert n // block_n == 8

        def wmap(i, j):
            return (0, 2 * (j % 4) + j // 4)
    else:
        def wmap(i, j):
            return (0, j)

    return pl.pallas_call(
        _mm_body,
        grid=(m // block_m, n // block_n),
        in_specs=[
            pl.BlockSpec((block_m, k), lambda i, j: (i, 0)),
            pl.BlockSpec((k, block_n), wmap),
            pl.BlockSpec((1, block_n), lambda i, j: (0, wmap(i, j)[1])),
        ],
        out_specs=pl.BlockSpec((block_m, block_n), lambda i, j: (i, j)),
        out_shape=jax.ShapeDtypeStruct((m, n), out_dtype),
    )(a, w_t, bias)


def _gate_src_block(j):
    return 2 * (j % 4) + j // 4


def _lstm_scan(xg, w_hh_t, unroll=8):
    s, b, g4 = xg.shape
    h_dim = w_hh_t.shape[0]
    hh = h_dim // 2
    g2 = g4 // 2
    nb = g4 // hh

    def act_half(gates, c_half):
        gi = jax.nn.sigmoid(gates[:, :hh])
        gf = jax.nn.sigmoid(gates[:, hh : 2 * hh])
        gg = jnp.tanh(gates[:, 2 * hh : 3 * hh])
        go = jax.nn.sigmoid(gates[:, 3 * hh :])
        c_new = gf * c_half + gi * gg
        h_new = go * jnp.tanh(c_new)
        return h_new, c_new

    def body(x_ref, w_ref, y_ref, h_ref, c_ref, wb_ref, ha_ref, hb_ref):
        t = pl.program_id(0)

        @pl.when(t == 0)
        def _():
            for j in range(nb):
                src = _gate_src_block(j) * hh
                wb_ref[:, j * hh : (j + 1) * hh] = (
                    w_ref[:, src : src + hh].astype(jnp.bfloat16)
                )
            h_ref[...] = jnp.zeros_like(h_ref)
            c_ref[...] = jnp.zeros_like(c_ref)
            ha_ref[...] = jnp.zeros_like(ha_ref)
            hb_ref[...] = jnp.zeros_like(hb_ref)

        h_a = ha_ref[...]
        h_b = hb_ref[...]
        c = c_ref[...]
        c_a = c[:, :hh]
        c_b = c[:, hh:]
        w = wb_ref[...]
        for u in range(unroll):
            ga = (
                x_ref[u, :, :g2]
                + jnp.dot(h_a, w[:hh, :g2], preferred_element_type=jnp.float32)
                + jnp.dot(h_b, w[hh:, :g2], preferred_element_type=jnp.float32)
            )
            gb = (
                x_ref[u, :, g2:]
                + jnp.dot(h_a, w[:hh, g2:], preferred_element_type=jnp.float32)
                + jnp.dot(h_b, w[hh:, g2:], preferred_element_type=jnp.float32)
            )
            ha_new, c_a = act_half(ga, c_a)
            h_a = ha_new.astype(jnp.bfloat16)
            hb_new, c_b = act_half(gb, c_b)
            h_b = hb_new.astype(jnp.bfloat16)
            y_ref[u, :, :hh] = h_a
            y_ref[u, :, hh:] = h_b
        h_ref[:, :hh] = ha_new
        h_ref[:, hh:] = hb_new
        c_ref[:, :hh] = c_a
        c_ref[:, hh:] = c_b
        ha_ref[...] = h_a
        hb_ref[...] = h_b

    return pl.pallas_call(
        body,
        grid=(s // unroll,),
        in_specs=[
            pl.BlockSpec((unroll, b, g4), lambda t: (t, 0, 0)),
            pl.BlockSpec((h_dim, g4), lambda t: (0, 0)),
        ],
        out_specs=[
            pl.BlockSpec((unroll, b, h_dim), lambda t: (t, 0, 0)),
            pl.BlockSpec((b, h_dim), lambda t: (0, 0)),
            pl.BlockSpec((b, h_dim), lambda t: (0, 0)),
        ],
        out_shape=[
            jax.ShapeDtypeStruct((s, b, h_dim), jnp.bfloat16),
            jax.ShapeDtypeStruct((b, h_dim), jnp.float32),
            jax.ShapeDtypeStruct((b, h_dim), jnp.float32),
        ],
        scratch_shapes=[
            pltpu.VMEM((h_dim, g4), jnp.bfloat16),
            pltpu.VMEM((b, hh), jnp.bfloat16),
            pltpu.VMEM((b, hh), jnp.bfloat16),
        ],
    )(xg, w_hh_t)


def kernel(x, emb, W_ih0, W_hh0, b_ih0, b_hh0, W_ih1, W_hh1, b_ih1, b_hh1, W_out, b_out):
    b, s = x.shape
    h_dim = W_hh0.shape[1]

    idx = x.T.reshape(-1).astype(jnp.int32)
    e = _sc_gather(emb, idx)

    xg0 = _matmul_bias(
        e, W_ih0.T, (b_ih0 + b_hh0)[None, :],
        block_m=b * s, out_dtype=jnp.bfloat16, gate_perm=True,
    )
    y0, h0, c0 = _lstm_scan(xg0.reshape(s, b, -1), W_hh0.T)

    xg1 = _matmul_bias(
        y0.reshape(s * b, h_dim), W_ih1.T, (b_ih1 + b_hh1)[None, :],
        block_m=b * s, out_dtype=jnp.bfloat16, gate_perm=True,
    )
    y1, h1, c1 = _lstm_scan(xg1.reshape(s, b, -1), W_hh1.T)

    a = jnp.transpose(y1, (1, 0, 2)).reshape(b * s, h_dim)
    out = _matmul_bias(a, W_out.T, b_out[None, :], block_m=b * s).reshape(b, s, -1)

    h_n = jnp.stack([h0, h1], axis=0)
    c_n = jnp.stack([c0, c1], axis=0)
    return (out, h_n, c_n)

# --- scband reference (transcript-rebuilt; emitter-appended) ---
"""Pipeline reference for scband-cadenza-rnn-10239202033773 (READ-ONLY COPY).

The authoritative reference and input builder live on the scoring server;
editing this copy changes nothing except your own understanding.
"""

import jax, jax.numpy as jnp
import numpy as np

N_TOKEN, D_EMBED, HIDDEN, N_LAYER = 8192, 512, 1024, 2
B, S = 16, 256


def setup_inputs(seed: int = 0) -> dict:
    key = jax.random.key(seed)
    ks = jax.random.split(key, 8)
    def init(k, shape, fan):
        return (jax.random.normal(k, shape, dtype=jnp.float32) * (1.0 / np.sqrt(fan))).astype(jnp.float32)
    x = jax.random.randint(ks[0], (B, S), 0, N_TOKEN, dtype=jnp.int64 if jax.config.jax_enable_x64 else jnp.int32)
    return {
        "x": x,
        "emb": init(ks[1], (N_TOKEN, D_EMBED), D_EMBED),
        "W_ih0": init(ks[2], (4 * HIDDEN, D_EMBED), D_EMBED),
        "W_hh0": init(ks[3], (4 * HIDDEN, HIDDEN), HIDDEN),
        "b_ih0": jnp.zeros((4 * HIDDEN,), jnp.float32),
        "b_hh0": jnp.zeros((4 * HIDDEN,), jnp.float32),
        "W_ih1": init(ks[4], (4 * HIDDEN, HIDDEN), HIDDEN),
        "W_hh1": init(ks[5], (4 * HIDDEN, HIDDEN), HIDDEN),
        "b_ih1": jnp.zeros((4 * HIDDEN,), jnp.float32),
        "b_hh1": jnp.zeros((4 * HIDDEN,), jnp.float32),
        "W_out": init(ks[6], (N_TOKEN, HIDDEN), HIDDEN),
        "b_out": jnp.zeros((N_TOKEN,), jnp.float32),
    }


def _lstm_layer(x_tm, W_ih, W_hh, b_ih, b_hh):
    # x_tm: [S, B, in]; PyTorch gate order i, f, g, o
    Bb = x_tm.shape[1]
    H = W_hh.shape[1]
    h0 = jnp.zeros((Bb, H), jnp.float32)
    c0 = jnp.zeros((Bb, H), jnp.float32)

    def step(carry, xt):
        h, c = carry
        gates = xt @ W_ih.T + h @ W_hh.T + b_ih + b_hh
        i, f, g, o = jnp.split(gates, 4, axis=-1)
        i = jax.nn.sigmoid(i)
        f = jax.nn.sigmoid(f)
        g = jnp.tanh(g)
        o = jax.nn.sigmoid(o)
        c_new = f * c + i * g
        h_new = o * jnp.tanh(c_new)
        return (h_new, c_new), h_new

    (hT, cT), ys = jax.lax.scan(step, (h0, c0), x_tm)
    return ys, hT, cT


def reference(x, emb, W_ih0, W_hh0, b_ih0, b_hh0, W_ih1, W_hh1, b_ih1, b_hh1, W_out, b_out):
    e = jnp.take(emb, x, axis=0)              # [B, S, D]
    x_tm = jnp.transpose(e, (1, 0, 2))        # [S, B, D]
    y0, h0, c0 = _lstm_layer(x_tm, W_ih0, W_hh0, b_ih0, b_hh0)
    y1, h1, c1 = _lstm_layer(y0, W_ih1, W_hh1, b_ih1, b_hh1)
    out = jnp.transpose(y1, (1, 0, 2)) @ W_out.T + b_out  # [B, S, n_token]
    h_n = jnp.stack([h0, h1], axis=0)         # [n_layer, B, H]
    c_n = jnp.stack([c0, c1], axis=0)
    return (out, h_n, c_n)

if __name__ == "__main__":
    import jax
    _d = setup_inputs()
    print(jax.jit(kernel)(*tuple(_d.values())))

</pallas_src>

<mosaic_0001>
#map = affine_map<(d0, d1) -> (0, 0)>
#map1 = affine_map<(d0, d1) -> (0)>
module attributes {stable_mosaic.version = 14 : i64} {
  func.func @gather_kernel(%arg0: i32, %arg1: i32, %arg2: memref<8192x512xf32, #tpu.memory_space<hbm>>, %arg3: memref<4096xi32, #tpu.memory_space<hbm>>, %arg4: memref<4096x512xf32, #tpu.memory_space<hbm>>, %arg5: memref<128xi32, #tpu.memory_space<vmem>>, %arg6: memref<128x512xf32, #tpu.memory_space<vmem>>, %arg7: memref<!tpu.dma_semaphore, #tpu.memory_space<semaphore_mem>>) attributes {dimension_semantics = [#tpu.dimension_semantics<core_parallel>, #tpu.dimension_semantics<subcore_parallel>], iteration_bounds = array<i64: 2, 16>, scalar_prefetch = 0 : i64, scratch_operands = 3 : i64, tpu.core_type = #tpu.core_type<sc_vector_subcore>, window_params = [{transform_indices = #map}, {transform_indices = #map1}, {transform_indices = #map}]} {
    %mul3A = arith.constant 2 : i32
    %mul3A_0 = arith.muli %arg1, %mul3A : i32
    %add3A = arith.addi %mul3A_0, %arg0 : i32
    %mul3A_1 = arith.constant 128 : i32
    %mul3A_2 = arith.muli %add3A, %mul3A_1 : i32
    "tpu.region"() ({
      %run_scoped3A = tpu.sem_alloc : memref<!tpu.dma_semaphore, #tpu.memory_space<semaphore_mem>>
      %dma_start3A_7 = tpu.memref_slice %arg3[%mul3A_2] : memref<4096xi32, #tpu.memory_space<hbm>> -> memref<128xi32, #tpu.memory_space<hbm>>
      %dma_start3A_8 = tpu.memref_slice %arg3[%mul3A_2] : memref<4096xi32, #tpu.memory_space<hbm>> -> memref<128xi32, #tpu.memory_space<hbm>>
      tpu.enqueue_dma source(%dma_start3A_8 : memref<128xi32, #tpu.memory_space<hbm>>) target(%arg5 : memref<128xi32, #tpu.memory_space<vmem>>) target_semaphore(%run_scoped3A : memref<!tpu.dma_semaphore, #tpu.memory_space<semaphore_mem>>)
      %dma_wait3A_9 = tpu.memref_slice %arg3[%mul3A_2] : memref<4096xi32, #tpu.memory_space<hbm>> -> memref<128xi32, #tpu.memory_space<hbm>>
      %dma_wait3A_10 = tpu.memref_slice %arg3[%mul3A_2] : memref<4096xi32, #tpu.memory_space<hbm>> -> memref<128xi32, #tpu.memory_space<hbm>>
      tpu.wait_dma2 semaphore(%run_scoped3A : memref<!tpu.dma_semaphore, #tpu.memory_space<semaphore_mem>>) src(%dma_wait3A_10 : memref<128xi32, #tpu.memory_space<hbm>>) dst(%arg5 : memref<128xi32, #tpu.memory_space<vmem>>)
      tpu.yield
    }) : () -> ()
    %dma_start3A = arith.constant 0 : i32
    %dma_start3A_3 = arith.constant 0 : i32
    %dma_start3A_4 = tpu.memref_slice %arg2[%dma_start3A, %dma_start3A_3] : memref<8192x512xf32, #tpu.memory_space<hbm>> -> memref<8192x512xf32, #tpu.memory_space<hbm>>
    tpu.enqueue_indirect_dma source(%dma_start3A_4 : memref<8192x512xf32, #tpu.memory_space<hbm>>) target(%arg6 : memref<128x512xf32, #tpu.memory_space<vmem>>) offsets(%arg5 : memref<128xi32, #tpu.memory_space<vmem>>) semaphore(%arg7 : memref<!tpu.dma_semaphore, #tpu.memory_space<semaphore_mem>>)
    %dma_wait3A = arith.constant 0 : i32
    %dma_wait3A_5 = arith.constant 0 : i32
    %dma_wait3A_6 = tpu.memref_slice %arg2[%dma_wait3A, %dma_wait3A_5] : memref<8192x512xf32, #tpu.memory_space<hbm>> -> memref<8192x512xf32, #tpu.memory_space<hbm>>
    tpu.wait_indirect_dma semaphore(%arg7 : memref<!tpu.dma_semaphore, #tpu.memory_space<semaphore_mem>>) src(%dma_wait3A_6 : memref<8192x512xf32, #tpu.memory_space<hbm>>) dst(%arg6 : memref<128x512xf32, #tpu.memory_space<vmem>>)
    "tpu.region"() ({
      %run_scoped3A = tpu.sem_alloc : memref<!tpu.dma_semaphore, #tpu.memory_space<semaphore_mem>>
      %dma_start3A_7 = arith.constant 0 : i32
      %dma_start3A_8 = tpu.memref_slice %arg4[%mul3A_2, %dma_start3A_7] : memref<4096x512xf32, #tpu.memory_space<hbm>> -> memref<128x512xf32, #tpu.memory_space<hbm>>
      %dma_start3A_9 = arith.constant 0 : i32
      %dma_start3A_10 = tpu.memref_slice %arg4[%mul3A_2, %dma_start3A_9] : memref<4096x512xf32, #tpu.memory_space<hbm>> -> memref<128x512xf32, #tpu.memory_space<hbm>>
      tpu.enqueue_dma source(%arg6 : memref<128x512xf32, #tpu.memory_space<vmem>>) target(%dma_start3A_10 : memref<128x512xf32, #tpu.memory_space<hbm>>) target_semaphore(%run_scoped3A : memref<!tpu.dma_semaphore, #tpu.memory_space<semaphore_mem>>)
      %dma_wait3A_11 = arith.constant 0 : i32
      %dma_wait3A_12 = tpu.memref_slice %arg4[%mul3A_2, %dma_wait3A_11] : memref<4096x512xf32, #tpu.memory_space<hbm>> -> memref<128x512xf32, #tpu.memory_space<hbm>>
      %dma_wait3A_13 = arith.constant 0 : i32
      %dma_wait3A_14 = tpu.memref_slice %arg4[%mul3A_2, %dma_wait3A_13] : memref<4096x512xf32, #tpu.memory_space<hbm>> -> memref<128x512xf32, #tpu.memory_space<hbm>>
      tpu.wait_dma2 semaphore(%run_scoped3A : memref<!tpu.dma_semaphore, #tpu.memory_space<semaphore_mem>>) src(%arg6 : memref<128x512xf32, #tpu.memory_space<vmem>>) dst(%dma_wait3A_14 : memref<128x512xf32, #tpu.memory_space<hbm>>)
      tpu.yield
    }) : () -> ()
    return
  }
}

module attributes {stable_mosaic.version = 14 : i64} {
  func.func @_mm_body(%arg0: i32, %arg1: i32, %arg2: memref<4096x512xf32, #tpu.memory_space<vmem>>, %arg3: memref<512x512xf32, #tpu.memory_space<vmem>>, %arg4: memref<1x512xf32, #tpu.memory_space<vmem>>, %arg5: memref<4096x512xbf16, #tpu.memory_space<vmem>>) attributes {dimension_semantics = [#tpu.dimension_semantics<arbitrary>, #tpu.dimension_semantics<arbitrary>], iteration_bounds = array<i64: 1, 8>, scalar_prefetch = 0 : i64, scratch_operands = 0 : i64, tpu.core_type = #tpu.core_type<tc>, window_params = [{transform_indices = @transform_0, window_bounds = array<i64: 4096, 512>}, {transform_indices = @transform_1, window_bounds = array<i64: 512, 512>}, {transform_indices = @transform_2, window_bounds = array<i64: 1, 512>}, {transform_indices = @transform_3, window_bounds = array<i64: 4096, 512>}]} {
    %get3A = arith.constant 0 : index
    %get3A_0 = arith.constant 0 : index
    %get3A_1 = vector.load %arg2[%get3A, %get3A_0] : memref<4096x512xf32, #tpu.memory_space<vmem>>, vector<4096x512xf32>
    %convert_element_type3A = arith.truncf %get3A_1 : vector<4096x512xf32> to vector<4096x512xbf16>
    %get3A_2 = arith.constant 0 : index
    %get3A_3 = arith.constant 0 : index
    %get3A_4 = vector.load %arg3[%get3A_2, %get3A_3] : memref<512x512xf32, #tpu.memory_space<vmem>>, vector<512x512xf32>
    %convert_element_type3A_5 = arith.truncf %get3A_4 : vector<512x512xf32> to vector<512x512xbf16>
    %dot_general3A = arith.constant dense<0.000000e+00> : vector<4096x512xf32>
    %dot_general3A_6 = tpu.matmul %convert_element_type3A, %convert_element_type3A_5, %dot_general3A {dimension_numbers = #tpu.dot_dimension_numbers<[1], [0], [0], [1], [0, 0, 1, 1], [], []>, transpose_lhs_hint = false} : vector<4096x512xbf16>, vector<512x512xbf16>, vector<4096x512xf32> -> vector<4096x512xf32>
    %get3A_7 = arith.constant 0 : index
    %get3A_8 = arith.constant 0 : index
    %get3A_9 = vector.load %arg4[%get3A_7, %get3A_8] : memref<1x512xf32, #tpu.memory_space<vmem>>, vector<1x512xf32>
    %add3A = vector.broadcast %get3A_9 : vector<1x512xf32> to vector<4096x512xf32>
    %add3A_10 = arith.addf %dot_general3A_6, %add3A : vector<4096x512xf32>
    %convert_element_type3A_11 = arith.truncf %add3A_10 : vector<4096x512xf32> to vector<4096x512xbf16>
    %swap3A = arith.constant 0 : index
    %swap3A_12 = arith.constant 0 : index
    %swap3A_13 = vector.load %arg5[%swap3A, %swap3A_12] : memref<4096x512xbf16, #tpu.memory_space<vmem>>, vector<4096x512xbf16>
    tpu.vector_store %arg5[%swap3A, %swap3A_12], %convert_element_type3A_11 {strides = array<i32>} : memref<4096x512xbf16, #tpu.memory_space<vmem>>, vector<4096x512xbf16>,
    return
  }
  func.func @transform_0(%arg0: i32, %arg1: i32) -> (i32, i32) {
    %c0_i32 = arith.constant 0 : i32
    %c0_i32_0 = arith.constant 0 : i32
    return %arg0, %c0_i32 : i32, i32
  }
  func.func @transform_1(%arg0: i32, %arg1: i32) -> (i32, i32) {
    %jit3A = arith.constant 4 : i32
    %eq3A = arith.constant 0 : i32
    %eq3A_0 = arith.cmpi eq, %jit3A, %eq3A : i32
    %jit3A_1 = arith.constant 1 : i32
    %select_n3A = arith.select %eq3A_0, %jit3A_1, %jit3A : i32
    %rem3A = arith.remsi %arg1, %select_n3A : i32
    %ne3A = arith.constant 0 : i32
    %ne3A_2 = arith.cmpi ne, %rem3A, %ne3A : i32
    %lt3A = arith.constant 0 : i32
    %lt3A_3 = arith.cmpi slt, %rem3A, %lt3A : i32
    %lt3A_4 = arith.constant 0 : i32
    %lt3A_5 = arith.cmpi slt, %select_n3A, %lt3A_4 : i32
    %ne3A_6 = arith.xori %lt3A_3, %lt3A_5 : i1
    %and3A = arith.andi %ne3A_6, %ne3A_2 : i1
    %add3A = arith.addi %rem3A, %select_n3A : i32
    %select_n3A_7 = arith.select %and3A, %add3A, %rem3A : i32
    %mul3A = arith.constant 2 : i32
    %mul3A_8 = arith.muli %mul3A, %select_n3A_7 : i32
    %jit3A_9 = arith.constant 4 : i32
    %div3A = arith.divsi %arg1, %jit3A_9 : i32
    %sign3A = arith.constant 0 : i32
    %sign3A_10 = arith.cmpi sgt, %arg1, %sign3A : i32
    %sign3A_11 = arith.extui %sign3A_10 : i1 to i32
    %sign3A_12 = arith.constant 0 : i32
    %sign3A_13 = arith.cmpi slt, %arg1, %sign3A_12 : i32
    %sign3A_14 = arith.extui %sign3A_13 : i1 to i32
    %sign3A_15 = arith.subi %sign3A_11, %sign3A_14 : i32
    %sign3A_16 = arith.constant 0 : i32
    %sign3A_17 = arith.cmpi sgt, %jit3A_9, %sign3A_16 : i32
    %sign3A_18 = arith.extui %sign3A_17 : i1 to i32
    %sign3A_19 = arith.constant 0 : i32
    %sign3A_20 = arith.cmpi slt, %jit3A_9, %sign3A_19 : i32
    %sign3A_21 = arith.extui %sign3A_20 : i1 to i32
    %sign3A_22 = arith.subi %sign3A_18, %sign3A_21 : i32
    %ne3A_23 = arith.cmpi ne, %sign3A_15, %sign3A_22 : i32
    %rem3A_24 = arith.remsi %arg1, %jit3A_9 : i32
    %ne3A_25 = arith.constant 0 : i32
    %ne3A_26 = arith.cmpi ne, %rem3A_24, %ne3A_25 : i32
    %and3A_27 = arith.andi %ne3A_23, %ne3A_26 : i1
    %sub3A = arith.constant 1 : i32
    %sub3A_28 = arith.subi %div3A, %sub3A : i32
    %select_n3A_29 = arith.select %and3A_27, %sub3A_28, %div3A : i32
    %add3A_30 = arith.addi %mul3A_8, %select_n3A_29 : i32
    %c0_i32 = arith.constant 0 : i32
    %c0_i32_31 = arith.constant 0 : i32
    return %c0_i32, %add3A_30 : i32, i32
  }
  func.func @transform_2(%arg0: i32, %arg1: i32) -> (i32, i32) {
    %jit3A = arith.constant 4 : i32
    %eq3A = arith.constant 0 : i32
    %eq3A_0 = arith.cmpi eq, %jit3A, %eq3A : i32
    %jit3A_1 = arith.constant 1 : i32
    %select_n3A = arith.select %eq3A_0, %jit3A_1, %jit3A : i32
    %rem3A = arith.remsi %arg1, %select_n3A : i32
    %ne3A = arith.constant 0 : i32
    %ne3A_2 = arith.cmpi ne, %rem3A, %ne3A : i32
    %lt3A = arith.constant 0 : i32
    %lt3A_3 = arith.cmpi slt, %rem3A, %lt3A : i32
    %lt3A_4 = arith.constant 0 : i32
    %lt3A_5 = arith.cmpi slt, %select_n3A, %lt3A_4 : i32
    %ne3A_6 = arith.xori %lt3A_3, %lt3A_5 : i1
    %and3A = arith.andi %ne3A_6, %ne3A_2 : i1
    %add3A = arith.addi %rem3A, %select_n3A : i32
    %select_n3A_7 = arith.select %and3A, %add3A, %rem3A : i32
    %mul3A = arith.constant 2 : i32
    %mul3A_8 = arith.muli %mul3A, %select_n3A_7 : i32
    %jit3A_9 = arith.constant 4 : i32
    %div3A = arith.divsi %arg1, %jit3A_9 : i32
    %sign3A = arith.constant 0 : i32
    %sign3A_10 = arith.cmpi sgt, %arg1, %sign3A : i32
    %sign3A_11 = arith.extui %sign3A_10 : i1 to i32
    %sign3A_12 = arith.constant 0 : i32
    %sign3A_13 = arith.cmpi slt, %arg1, %sign3A_12 : i32
    %sign3A_14 = arith.extui %sign3A_13 : i1 to i32
    %sign3A_15 = arith.subi %sign3A_11, %sign3A_14 : i32
    %sign3A_16 = arith.constant 0 : i32
    %sign3A_17 = arith.cmpi sgt, %jit3A_9, %sign3A_16 : i32
    %sign3A_18 = arith.extui %sign3A_17 : i1 to i32
    %sign3A_19 = arith.constant 0 : i32
    %sign3A_20 = arith.cmpi slt, %jit3A_9, %sign3A_19 : i32
    %sign3A_21 = arith.extui %sign3A_20 : i1 to i32
    %sign3A_22 = arith.subi %sign3A_18, %sign3A_21 : i32
    %ne3A_23 = arith.cmpi ne, %sign3A_15, %sign3A_22 : i32
    %rem3A_24 = arith.remsi %arg1, %jit3A_9 : i32
    %ne3A_25 = arith.constant 0 : i32
    %ne3A_26 = arith.cmpi ne, %rem3A_24, %ne3A_25 : i32
    %and3A_27 = arith.andi %ne3A_23, %ne3A_26 : i1
    %sub3A = arith.constant 1 : i32
    %sub3A_28 = arith.subi %div3A, %sub3A : i32
    %select_n3A_29 = arith.select %and3A_27, %sub3A_28, %div3A : i32
    %add3A_30 = arith.addi %mul3A_8, %select_n3A_29 : i32
    %c0_i32 = arith.constant 0 : i32
    %c0_i32_31 = arith.constant 0 : i32
    return %c0_i32, %add3A_30 : i32, i32
  }
  func.func @transform_3(%arg0: i32, %arg1: i32) -> (i32, i32) {
    %c0_i32 = arith.constant 0 : i32
    return %arg0, %arg1 : i32, i32
  }
}

module attributes {stable_mosaic.version = 14 : i64} {
  func.func @body(%arg0: i32, %arg1: memref<8x16x4096xbf16, #tpu.memory_space<vmem>>, %arg2: memref<1024x4096xf32, #tpu.memory_space<vmem>>, %arg3: memref<8x16x1024xbf16, #tpu.memory_space<vmem>>, %arg4: memref<16x1024xf32, #tpu.memory_space<vmem>>, %arg5: memref<16x1024xf32, #tpu.memory_space<vmem>>, %arg6: memref<1024x4096xbf16, #tpu.memory_space<vmem>>, %arg7: memref<16x512xbf16, #tpu.memory_space<vmem>>, %arg8: memref<16x512xbf16, #tpu.memory_space<vmem>>) attributes {dimension_semantics = [#tpu.dimension_semantics<arbitrary>], iteration_bounds = array<i64: 32>, scalar_prefetch = 0 : i64, scratch_operands = 3 : i64, tpu.core_type = #tpu.core_type<tc>, window_params = [{transform_indices = @transform_0, window_bounds = array<i64: 8, 16, 4096>}, {pipeline_mode = #tpu.pipeline_mode<synchronous>, transform_indices = @transform_1, window_bounds = array<i64: 1024, 4096>}, {transform_indices = @transform_2, window_bounds = array<i64: 8, 16, 1024>}, {pipeline_mode = #tpu.pipeline_mode<synchronous>, transform_indices = @transform_3, window_bounds = array<i64: 16, 1024>}, {pipeline_mode = #tpu.pipeline_mode<synchronous>, transform_indices = @transform_4, window_bounds = array<i64: 16, 1024>}]} {
    %eq3A = arith.constant 0 : i32
    %eq3A_0 = arith.cmpi eq, %arg0, %eq3A : i32
    %convert_element_type3A = arith.extui %eq3A_0 : i1 to i32
    %cond3A = arith.constant 0 : i32
    %cond3A_1 = arith.cmpi ne, %convert_element_type3A, %cond3A : i32
    scf.if %cond3A_1 {
      %get3A_810 = arith.constant 0 : index
      %get3A_811 = arith.constant 0 : index
      %get3A_812 = vector.load %arg2[%get3A_810, %get3A_811] : memref<1024x4096xf32, #tpu.memory_space<vmem>>, vector<1024x512xf32>
      %convert_element_type3A_813 = arith.truncf %get3A_812 : vector<1024x512xf32> to vector<1024x512xbf16>
      %swap3A_814 = arith.constant 0 : index
      %swap3A_815 = arith.constant 0 : index
      %swap3A_816 = vector.load %arg6[%swap3A_814, %swap3A_815] : memref<1024x4096xbf16, #tpu.memory_space<vmem>>, vector<1024x512xbf16>
      tpu.vector_store %arg6[%swap3A_814, %swap3A_815], %convert_element_type3A_813 {strides = array<i32>} : memref<1024x4096xbf16, #tpu.memory_space<vmem>>, vector<1024x512xbf16>,
      %get3A_817 = arith.constant 0 : index
      %get3A_818 = arith.constant 1024 : index
      %get3A_819 = vector.load %arg2[%get3A_817, %get3A_818] : memref<1024x4096xf32, #tpu.memory_space<vmem>>, vector<1024x512xf32>
      %convert_element_type3A_820 = arith.truncf %get3A_819 : vector<1024x512xf32> to vector<1024x512xbf16>
      %swap3A_821 = arith.constant 0 : index
      %swap3A_822 = arith.constant 512 : index
      %swap3A_823 = vector.load %arg6[%swap3A_821, %swap3A_822] : memref<1024x4096xbf16, #tpu.memory_space<vmem>>, vector<1024x512xbf16>
      tpu.vector_store %arg6[%swap3A_821, %swap3A_822], %convert_element_type3A_820 {strides = array<i32>} : memref<1024x4096xbf16, #tpu.memory_space<vmem>>, vector<1024x512xbf16>,
      %get3A_824 = arith.constant 0 : index
      %get3A_825 = arith.constant 2048 : index
      %get3A_826 = vector.load %arg2[%get3A_824, %get3A_825] : memref<1024x4096xf32, #tpu.memory_space<vmem>>, vector<1024x512xf32>
      %convert_element_type3A_827 = arith.truncf %get3A_826 : vector<1024x512xf32> to vector<1024x512xbf16>
      %swap3A_828 = arith.constant 0 : index
      %swap3A_829 = arith.constant 1024 : index
      %swap3A_830 = vector.load %arg6[%swap3A_828, %swap3A_829] : memref<1024x4096xbf16, #tpu.memory_space<vmem>>, vector<1024x512xbf16>
      tpu.vector_store %arg6[%swap3A_828, %swap3A_829], %convert_element_type3A_827 {strides = array<i32>} : memref<1024x4096xbf16, #tpu.memory_space<vmem>>, vector<1024x512xbf16>,
      %get3A_831 = arith.constant 0 : index
      %get3A_832 = arith.constant 3072 : index
      %get3A_833 = vector.load %arg2[%get3A_831, %get3A_832] : memref<1024x4096xf32, #tpu.memory_space<vmem>>, vector<1024x512xf32>
      %convert_element_type3A_834 = arith.truncf %get3A_833 : vector<1024x512xf32> to vector<1024x512xbf16>
      %swap3A_835 = arith.constant 0 : index
      %swap3A_836 = arith.constant 1536 : index
      %swap3A_837 = vector.load %arg6[%swap3A_835, %swap3A_836] : memref<1024x4096xbf16, #tpu.memory_space<vmem>>, vector<1024x512xbf16>
      tpu.vector_store %arg6[%swap3A_835, %swap3A_836], %convert_element_type3A_834 {strides = array<i32>} : memref<1024x4096xbf16, #tpu.memory_space<vmem>>, vector<1024x512xbf16>,
      %get3A_838 = arith.constant 0 : index
      %get3A_839 = arith.constant 512 : index
      %get3A_840 = vector.load %arg2[%get3A_838, %get3A_839] : memref<1024x4096xf32, #tpu.memory_space<vmem>>, vector<1024x512xf32>
      %convert_element_type3A_841 = arith.truncf %get3A_840 : vector<1024x512xf32> to vector<1024x512xbf16>
      %swap3A_842 = arith.constant 0 : index
      %swap3A_843 = arith.constant 2048 : index
      %swap3A_844 = vector.load %arg6[%swap3A_842, %swap3A_843] : memref<1024x4096xbf16, #tpu.memory_space<vmem>>, vector<1024x512xbf16>
      tpu.vector_store %arg6[%swap3A_842, %swap3A_843], %convert_element_type3A_841 {strides = array<i32>} : memref<1024x4096xbf16, #tpu.memory_space<vmem>>, vector<1024x512xbf16>,
      %get3A_845 = arith.constant 0 : index
      %get3A_846 = arith.constant 1536 : index
      %get3A_847 = vector.load %arg2[%get3A_845, %get3A_846] : memref<1024x4096xf32, #tpu.memory_space<vmem>>, vector<1024x512xf32>
      %convert_element_type3A_848 = arith.truncf %get3A_847 : vector<1024x512xf32> to vector<1024x512xbf16>
      %swap3A_849 = arith.constant 0 : index
      %swap3A_850 = arith.constant 2560 : index
      %swap3A_851 = vector.load %arg6[%swap3A_849, %swap3A_850] : memref<1024x4096xbf16, #tpu.memory_space<vmem>>, vector<1024x512xbf16>
      tpu.vector_store %arg6[%swap3A_849, %swap3A_850], %convert_element_type3A_848 {strides = array<i32>} : memref<1024x4096xbf16, #tpu.memory_space<vmem>>, vector<1024x512xbf16>,
      %get3A_852 = arith.constant 0 : index
      %get3A_853 = arith.constant 2560 : index
      %get3A_854 = vector.load %arg2[%get3A_852, %get3A_853] : memref<1024x4096xf32, #tpu.memory_space<vmem>>, vector<1024x512xf32>
      %convert_element_type3A_855 = arith.truncf %get3A_854 : vector<1024x512xf32> to vector<1024x512xbf16>
      %swap3A_856 = arith.constant 0 : index
      %swap3A_857 = arith.constant 3072 : index
      %swap3A_858 = vector.load %arg6[%swap3A_856, %swap3A_857] : memref<1024x4096xbf16, #tpu.memory_space<vmem>>, vector<1024x512xbf16>
      tpu.vector_store %arg6[%swap3A_856, %swap3A_857], %convert_element_type3A_855 {strides = array<i32>} : memref<1024x4096xbf16, #tpu.memory_space<vmem>>, vector<1024x512xbf16>,
      %get3A_859 = arith.constant 0 : index
      %get3A_860 = arith.constant 3584 : index
      %get3A_861 = vector.load %arg2[%get3A_859, %get3A_860] : memref<1024x4096xf32, #tpu.memory_space<vmem>>, vector<1024x512xf32>
      %convert_element_type3A_862 = arith.truncf %get3A_861 : vector<1024x512xf32> to vector<1024x512xbf16>
      %swap3A_863 = arith.constant 0 : index
      %swap3A_864 = arith.constant 3584 : index
      %swap3A_865 = vector.load %arg6[%swap3A_863, %swap3A_864] : memref<1024x4096xbf16, #tpu.memory_space<vmem>>, vector<1024x512xbf16>
      tpu.vector_store %arg6[%swap3A_863, %swap3A_864], %convert_element_type3A_862 {strides = array<i32>} : memref<1024x4096xbf16, #tpu.memory_space<vmem>>, vector<1024x512xbf16>,
      %broadcast_in_dim3A = arith.constant 0.000000e+00 : f32
      %broadcast_in_dim3A_866 = vector.broadcast %broadcast_in_dim3A : f32 to vector<16x1024xf32>
      %swap3A_867 = arith.constant 0 : index
      %swap3A_868 = arith.constant 0 : index
      %swap3A_869 = vector.load %arg4[%swap3A_867, %swap3A_868] : memref<16x1024xf32, #tpu.memory_space<vmem>>, vector<16x1024xf32>
      tpu.vector_store %arg4[%swap3A_867, %swap3A_868], %broadcast_in_dim3A_866 {strides = array<i32>} : memref<16x1024xf32, #tpu.memory_space<vmem>>, vector<16x1024xf32>,
      %broadcast_in_dim3A_870 = arith.constant 0.000000e+00 : f32
      %broadcast_in_dim3A_871 = vector.broadcast %broadcast_in_dim3A_870 : f32 to vector<16x1024xf32>
      %swap3A_872 = arith.constant 0 : index
      %swap3A_873 = arith.constant 0 : index
      %swap3A_874 = vector.load %arg5[%swap3A_872, %swap3A_873] : memref<16x1024xf32, #tpu.memory_space<vmem>>, vector<16x1024xf32>
      tpu.vector_store %arg5[%swap3A_872, %swap3A_873], %broadcast_in_dim3A_871 {strides = array<i32>} : memref<16x1024xf32, #tpu.memory_space<vmem>>, vector<16x1024xf32>,
      %broadcast_in_dim3A_875 = arith.constant 0.000000e+00 : bf16
      %broadcast_in_dim3A_876 = vector.broadcast %broadcast_in_dim3A_875 : bf16 to vector<16x512xbf16>
      %swap3A_877 = arith.constant 0 : index
      %swap3A_878 = arith.constant 0 : index
      %swap3A_879 = vector.load %arg7[%swap3A_877, %swap3A_878] : memref<16x512xbf16, #tpu.memory_space<vmem>>, vector<16x512xbf16>
      tpu.vector_store %arg7[%swap3A_877, %swap3A_878], %broadcast_in_dim3A_876 {strides = array<i32>} : memref<16x512xbf16, #tpu.memory_space<vmem>>, vector<16x512xbf16>,
      %broadcast_in_dim3A_880 = arith.constant 0.000000e+00 : bf16
      %broadcast_in_dim3A_881 = vector.broadcast %broadcast_in_dim3A_880 : bf16 to vector<16x512xbf16>
      %swap3A_882 = arith.constant 0 : index
      %swap3A_883 = arith.constant 0 : index
      %swap3A_884 = vector.load %arg8[%swap3A_882, %swap3A_883] : memref<16x512xbf16, #tpu.memory_space<vmem>>, vector<16x512xbf16>
      tpu.vector_store %arg8[%swap3A_882, %swap3A_883], %broadcast_in_dim3A_881 {strides = array<i32>} : memref<16x512xbf16, #tpu.memory_space<vmem>>, vector<16x512xbf16>,
    } else {
    }
    %get3A = arith.constant 0 : index
    %get3A_2 = arith.constant 0 : index
    %get3A_3 = vector.load %arg7[%get3A, %get3A_2] : memref<16x512xbf16, #tpu.memory_space<vmem>>, vector<16x512xbf16>
    %get3A_4 = arith.constant 0 : index
    %get3A_5 = arith.constant 0 : index
    %get3A_6 = vector.load %arg8[%get3A_4, %get3A_5] : memref<16x512xbf16, #tpu.memory_space<vmem>>, vector<16x512xbf16>
    %get3A_7 = arith.constant 0 : index
    %get3A_8 = arith.constant 0 : index
    %get3A_9 = vector.load %arg5[%get3A_7, %get3A_8] : memref<16x1024xf32, #tpu.memory_space<vmem>>, vector<16x1024xf32>
    %slice3A = vector.extract_strided_slice %get3A_9 {offsets = [0, 0], sizes = [16, 512], strides = [1, 1]} : vector<16x1024xf32> to vector<16x512xf32>
    %slice3A_10 = vector.extract_strided_slice %get3A_9 {offsets = [0, 512], sizes = [16, 512], strides = [1, 1]} : vector<16x1024xf32> to vector<16x512xf32>
    %get3A_11 = arith.constant 0 : index
    %get3A_12 = arith.constant 0 : index
    %get3A_13 = vector.load %arg6[%get3A_11, %get3A_12] : memref<1024x4096xbf16, #tpu.memory_space<vmem>>, vector<1024x4096xbf16>
    %get3A_14 = arith.constant 0 : index
    %get3A_15 = arith.constant 0 : index
    %get3A_16 = arith.constant 0 : index
    %get3A_17 = vector.load %arg1[%get3A_14, %get3A_15, %get3A_16] : memref<8x16x4096xbf16, #tpu.memory_space<vmem>>, vector<1x16x2048xbf16>
    %get3A_18 = vector.shape_cast %get3A_17 : vector<1x16x2048xbf16> to vector<16x2048xbf16>
    %slice3A_19 = vector.extract_strided_slice %get3A_13 {offsets = [0, 0], sizes = [512, 2048], strides = [1, 1]} : vector<1024x4096xbf16> to vector<512x2048xbf16>
    %dot_general3A = arith.constant dense<0.000000e+00> : vector<16x2048xf32>
    %dot_general3A_20 = tpu.matmul %get3A_3, %slice3A_19, %dot_general3A {dimension_numbers = #tpu.dot_dimension_numbers<[1], [0], [0], [1], [0, 0, 1, 1], [], []>, transpose_lhs_hint = false} : vector<16x512xbf16>, vector<512x2048xbf16>, vector<16x2048xf32> -> vector<16x2048xf32>
    %convert_element_type3A_21 = arith.extf %get3A_18 : vector<16x2048xbf16> to vector<16x2048xf32>
    %add3A = arith.addf %convert_element_type3A_21, %dot_general3A_20 : vector<16x2048xf32>
    %slice3A_22 = vector.extract_strided_slice %get3A_13 {offsets = [512, 0], sizes = [512, 2048], strides = [1, 1]} : vector<1024x4096xbf16> to vector<512x2048xbf16>
    %dot_general3A_23 = arith.constant dense<0.000000e+00> : vector<16x2048xf32>
    %dot_general3A_24 = tpu.matmul %get3A_6, %slice3A_22, %dot_general3A_23 {dimension_numbers = #tpu.dot_dimension_numbers<[1], [0], [0], [1], [0, 0, 1, 1], [], []>, transpose_lhs_hint = false} : vector<16x512xbf16>, vector<512x2048xbf16>, vector<16x2048xf32> -> vector<16x2048xf32>
    %add3A_25 = arith.addf %add3A, %dot_general3A_24 : vector<16x2048xf32>
    %get3A_26 = arith.constant 0 : index
    %get3A_27 = arith.constant 0 : index
    %get3A_28 = arith.constant 2048 : index
    %get3A_29 = vector.load %arg1[%get3A_26, %get3A_27, %get3A_28] : memref<8x16x4096xbf16, #tpu.memory_space<vmem>>, vector<1x16x2048xbf16>
    %get3A_30 = vector.shape_cast %get3A_29 : vector<1x16x2048xbf16> to vector<16x2048xbf16>
    %slice3A_31 = vector.extract_strided_slice %get3A_13 {offsets = [0, 2048], sizes = [512, 2048], strides = [1, 1]} : vector<1024x4096xbf16> to vector<512x2048xbf16>
    %dot_general3A_32 = arith.constant dense<0.000000e+00> : vector<16x2048xf32>
    %dot_general3A_33 = tpu.matmul %get3A_3, %slice3A_31, %dot_general3A_32 {dimension_numbers = #tpu.dot_dimension_numbers<[1], [0], [0], [1], [0, 0, 1, 1], [], []>, transpose_lhs_hint = false} : vector<16x512xbf16>, vector<512x2048xbf16>, vector<16x2048xf32> -> vector<16x2048xf32>
    %convert_element_type3A_34 = arith.extf %get3A_30 : vector<16x2048xbf16> to vector<16x2048xf32>
    %add3A_35 = arith.addf %convert_element_type3A_34, %dot_general3A_33 : vector<16x2048xf32>
    %slice3A_36 = vector.extract_strided_slice %get3A_13 {offsets = [512, 2048], sizes = [512, 2048], strides = [1, 1]} : vector<1024x4096xbf16> to vector<512x2048xbf16>
    %dot_general3A_37 = arith.constant dense<0.000000e+00> : vector<16x2048xf32>
    %dot_general3A_38 = tpu.matmul %get3A_6, %slice3A_36, %dot_general3A_37 {dimension_numbers = #tpu.dot_dimension_numbers<[1], [0], [0], [1], [0, 0, 1, 1], [], []>, transpose_lhs_hint = false} : vector<16x512xbf16>, vector<512x2048xbf16>, vector<16x2048xf32> -> vector<16x2048xf32>
    %add3A_39 = arith.addf %add3A_35, %dot_general3A_38 : vector<16x2048xf32>
    %slice3A_40 = vector.extract_strided_slice %add3A_25 {offsets = [0, 0], sizes = [16, 512], strides = [1, 1]} : vector<16x2048xf32> to vector<16x512xf32>
    %logistic3A = arith.negf %slice3A_40 : vector<16x512xf32>
    %logistic3A_41 = math.exp %logistic3A : vector<16x512xf32>
    %logistic3A_42 = arith.constant 1.000000e+00 : f32
    %logistic3A_43 = vector.broadcast %logistic3A_42 : f32 to vector<16x512xf32>
    %logistic3A_44 = arith.addf %logistic3A_43, %logistic3A_41 : vector<16x512xf32>
    %logistic3A_45 = arith.divf %logistic3A_43, %logistic3A_44 : vector<16x512xf32>
    %slice3A_46 = vector.extract_strided_slice %add3A_25 {offsets = [0, 512], sizes = [16, 512], strides = [1, 1]} : vector<16x2048xf32> to vector<16x512xf32>
    %logistic3A_47 = arith.negf %slice3A_46 : vector<16x512xf32>
    %logistic3A_48 = math.exp %logistic3A_47 : vector<16x512xf32>
    %logistic3A_49 = arith.constant 1.000000e+00 : f32
    %logistic3A_50 = vector.broadcast %logistic3A_49 : f32 to vector<16x512xf32>
    %logistic3A_51 = arith.addf %logistic3A_50, %logistic3A_48 : vector<16x512xf32>
    %logistic3A_52 = arith.divf %logistic3A_50, %logistic3A_51 : vector<16x512xf32>
    %slice3A_53 = vector.extract_strided_slice %add3A_25 {offsets = [0, 1024], sizes = [16, 512], strides = [1, 1]} : vector<16x2048xf32> to vector<16x512xf32>
    %tanh3A = math.tanh %slice3A_53 : vector<16x512xf32>
    %slice3A_54 = vector.extract_strided_slice %add3A_25 {offsets = [0, 1536], sizes = [16, 512], strides = [1, 1]} : vector<16x2048xf32> to vector<16x512xf32>
    %logistic3A_55 = arith.negf %slice3A_54 : vector<16x512xf32>
    %logistic3A_56 = math.exp %logistic3A_55 : vector<16x512xf32>
    %logistic3A_57 = arith.constant 1.000000e+00 : f32
    %logistic3A_58 = vector.broadcast %logistic3A_57 : f32 to vector<16x512xf32>
    %logistic3A_59 = arith.addf %logistic3A_58, %logistic3A_56 : vector<16x512xf32>
    %logistic3A_60 = arith.divf %logistic3A_58, %logistic3A_59 : vector<16x512xf32>
    %mul3A = arith.mulf %logistic3A_52, %slice3A : vector<16x512xf32>
    %mul3A_61 = arith.mulf %logistic3A_45, %tanh3A : vector<16x512xf32>
    %add3A_62 = arith.addf %mul3A, %mul3A_61 : vector<16x512xf32>
    %tanh3A_63 = math.tanh %add3A_62 : vector<16x512xf32>
    %mul3A_64 = arith.mulf %logistic3A_60, %tanh3A_63 : vector<16x512xf32>
    %convert_element_type3A_65 = arith.truncf %mul3A_64 : vector<16x512xf32> to vector<16x512xbf16>
    %slice3A_66 = vector.extract_strided_slice %add3A_39 {offsets = [0, 0], sizes = [16, 512], strides = [1, 1]} : vector<16x2048xf32> to vector<16x512xf32>
    %logistic3A_67 = arith.negf %slice3A_66 : vector<16x512xf32>
    %logistic3A_68 = math.exp %logistic3A_67 : vector<16x512xf32>
    %logistic3A_69 = arith.constant 1.000000e+00 : f32
    %logistic3A_70 = vector.broadcast %logistic3A_69 : f32 to vector<16x512xf32>
    %logistic3A_71 = arith.addf %logistic3A_70, %logistic3A_68 : vector<16x512xf32>
    %logistic3A_72 = arith.divf %logistic3A_70, %logistic3A_71 : vector<16x512xf32>
    %slice3A_73 = vector.extract_strided_slice %add3A_39 {offsets = [0, 512], sizes = [16, 512], strides = [1, 1]} : vector<16x2048xf32> to vector<16x512xf32>
    %logistic3A_74 = arith.negf %slice3A_73 : vector<16x512xf32>
    %logistic3A_75 = math.exp %logistic3A_74 : vector<16x512xf32>
    %logistic3A_76 = arith.constant 1.000000e+00 : f32
    %logistic3A_77 = vector.broadcast %logistic3A_76 : f32 to vector<16x512xf32>
    %logistic3A_78 = arith.addf %logistic3A_77, %logistic3A_75 : vector<16x512xf32>
    %logistic3A_79 = arith.divf %logistic3A_77, %logistic3A_78 : vector<16x512xf32>
    %slice3A_80 = vector.extract_strided_slice %add3A_39 {offsets = [0, 1024], sizes = [16, 512], strides = [1, 1]} : vector<16x2048xf32> to vector<16x512xf32>
    %tanh3A_81 = math.tanh %slice3A_80 : vector<16x512xf32>
    %slice3A_82 = vector.extract_strided_slice %add3A_39 {offsets = [0, 1536], sizes = [16, 512], strides = [1, 1]} : vector<16x2048xf32> to vector<16x512xf32>
    %logistic3A_83 = arith.negf %slice3A_82 : vector<16x512xf32>
    %logistic3A_84 = math.exp %logistic3A_83 : vector<16x512xf32>
    %logistic3A_85 = arith.constant 1.000000e+00 : f32
    %logistic3A_86 = vector.broadcast %logistic3A_85 : f32 to vector<16x512xf32>
    %logistic3A_87 = arith.addf %logistic3A_86, %logistic3A_84 : vector<16x512xf32>
    %logistic3A_88 = arith.divf %logistic3A_86, %logistic3A_87 : vector<16x512xf32>
    %mul3A_89 = arith.mulf %logistic3A_79, %slice3A_10 : vector<16x512xf32>
    %mul3A_90 = arith.mulf %logistic3A_72, %tanh3A_81 : vector<16x512xf32>
    %add3A_91 = arith.addf %mul3A_89, %mul3A_90 : vector<16x512xf32>
    %tanh3A_92 = math.tanh %add3A_91 : vector<16x512xf32>
    %mul3A_93 = arith.mulf %logistic3A_88, %tanh3A_92 : vector<16x512xf32>
    %convert_element_type3A_94 = arith.truncf %mul3A_93 : vector<16x512xf32> to vector<16x512xbf16>
    %swap3A = arith.constant 0 : index
    %swap3A_95 = arith.constant 0 : index
    %swap3A_96 = arith.constant 0 : index
    %swap3A_97 = vector.load %arg3[%swap3A, %swap3A_95, %swap3A_96] : memref<8x16x1024xbf16, #tpu.memory_space<vmem>>, vector<1x16x512xbf16>
    %swap3A_98 = vector.shape_cast %swap3A_97 : vector<1x16x512xbf16> to vector<16x512xbf16>
    %swap3A_99 = vector.shape_cast %convert_element_type3A_65 : vector<16x512xbf16> to vector<1x16x512xbf16>
    tpu.vector_store %arg3[%swap3A, %swap3A_95, %swap3A_96], %swap3A_99 {strides = array<i32>} : memref<8x16x1024xbf16, #tpu.memory_space<vmem>>, vector<1x16x512xbf16>,
    %swap3A_100 = arith.constant 0 : index
    %swap3A_101 = arith.constant 0 : index
    %swap3A_102 = arith.constant 512 : index
    %swap3A_103 = vector.load %arg3[%swap3A_100, %swap3A_101, %swap3A_102] : memref<8x16x1024xbf16, #tpu.memory_space<vmem>>, vector<1x16x512xbf16>
    %swap3A_104 = vector.shape_cast %swap3A_103 : vector<1x16x512xbf16> to vector<16x512xbf16>
    %swap3A_105 = vector.shape_cast %convert_element_type3A_94 : vector<16x512xbf16> to vector<1x16x512xbf16>
    tpu.vector_store %arg3[%swap3A_100, %swap3A_101, %swap3A_102], %swap3A_105 {strides = array<i32>} : memref<8x16x1024xbf16, #tpu.memory_space<vmem>>, vector<1x16x512xbf16>,
    %get3A_106 = arith.constant 1 : index
    %get3A_107 = arith.constant 0 : index
    %get3A_108 = arith.constant 0 : index
    %get3A_109 = vector.load %arg1[%get3A_106, %get3A_107, %get3A_108] : memref<8x16x4096xbf16, #tpu.memory_space<vmem>>, vector<1x16x2048xbf16>
    %get3A_110 = vector.shape_cast %get3A_109 : vector<1x16x2048xbf16> to vector<16x2048xbf16>
    %slice3A_111 = vector.extract_strided_slice %get3A_13 {offsets = [0, 0], sizes = [512, 2048], strides = [1, 1]} : vector<1024x4096xbf16> to vector<512x2048xbf16>
    %dot_general3A_112 = arith.constant dense<0.000000e+00> : vector<16x2048xf32>
    %dot_general3A_113 = tpu.matmul %convert_element_type3A_65, %slice3A_111, %dot_general3A_112 {dimension_numbers = #tpu.dot_dimension_numbers<[1], [0], [0], [1], [0, 0, 1, 1], [], []>, transpose_lhs_hint = false} : vector<16x512xbf16>, vector<512x2048xbf16>, vector<16x2048xf32> -> vector<16x2048xf32>
    %convert_element_type3A_114 = arith.extf %get3A_110 : vector<16x2048xbf16> to vector<16x2048xf32>
    %add3A_115 = arith.addf %convert_element_type3A_114, %dot_general3A_113 : vector<16x2048xf32>
    %slice3A_116 = vector.extract_strided_slice %get3A_13 {offsets = [512, 0], sizes = [512, 2048], strides = [1, 1]} : vector<1024x4096xbf16> to vector<512x2048xbf16>
    %dot_general3A_117 = arith.constant dense<0.000000e+00> : vector<16x2048xf32>
    %dot_general3A_118 = tpu.matmul %convert_element_type3A_94, %slice3A_116, %dot_general3A_117 {dimension_numbers = #tpu.dot_dimension_numbers<[1], [0], [0], [1], [0, 0, 1, 1], [], []>, transpose_lhs_hint = false} : vector<16x512xbf16>, vector<512x2048xbf16>, vector<16x2048xf32> -> vector<16x2048xf32>
    %add3A_119 = arith.addf %add3A_115, %dot_general3A_118 : vector<16x2048xf32>
    %get3A_120 = arith.constant 1 : index
    %get3A_121 = arith.constant 0 : index
    %get3A_122 = arith.constant 2048 : index
    %get3A_123 = vector.load %arg1[%get3A_120, %get3A_121, %get3A_122] : memref<8x16x4096xbf16, #tpu.memory_space<vmem>>, vector<1x16x2048xbf16>
    %get3A_124 = vector.shape_cast %get3A_123 : vector<1x16x2048xbf16> to vector<16x2048xbf16>
    %slice3A_125 = vector.extract_strided_slice %get3A_13 {offsets = [0, 2048], sizes = [512, 2048], strides = [1, 1]} : vector<1024x4096xbf16> to vector<512x2048xbf16>
    %dot_general3A_126 = arith.constant dense<0.000000e+00> : vector<16x2048xf32>
    %dot_general3A_127 = tpu.matmul %convert_element_type3A_65, %slice3A_125, %dot_general3A_126 {dimension_numbers = #tpu.dot_dimension_numbers<[1], [0], [0], [1], [0, 0, 1, 1], [], []>, transpose_lhs_hint = false} : vector<16x512xbf16>, vector<512x2048xbf16>, vector<16x2048xf32> -> vector<16x2048xf32>
    %convert_element_type3A_128 = arith.extf %get3A_124 : vector<16x2048xbf16> to vector<16x2048xf32>
    %add3A_129 = arith.addf %convert_element_type3A_128, %dot_general3A_127 : vector<16x2048xf32>
    %slice3A_130 = vector.extract_strided_slice %get3A_13 {offsets = [512, 2048], sizes = [512, 2048], strides = [1, 1]} : vector<1024x4096xbf16> to vector<512x2048xbf16>
    %dot_general3A_131 = arith.constant dense<0.000000e+00> : vector<16x2048xf32>
    %dot_general3A_132 = tpu.matmul %convert_element_type3A_94, %slice3A_130, %dot_general3A_131 {dimension_numbers = #tpu.dot_dimension_numbers<[1], [0], [0], [1], [0, 0, 1, 1], [], []>, transpose_lhs_hint = false} : vector<16x512xbf16>, vector<512x2048xbf16>, vector<16x2048xf32> -> vector<16x2048xf32>
    %add3A_133 = arith.addf %add3A_129, %dot_general3A_132 : vector<16x2048xf32>
    %slice3A_134 = vector.extract_strided_slice %add3A_119 {offsets = [0, 0], sizes = [16, 512], strides = [1, 1]} : vector<16x2048xf32> to vector<16x512xf32>
    %logistic3A_135 = arith.negf %slice3A_134 : vector<16x512xf32>
    %logistic3A_136 = math.exp %logistic3A_135 : vector<16x512xf32>
    %logistic3A_137 = arith.constant 1.000000e+00 : f32
    %logistic3A_138 = vector.broadcast %logistic3A_137 : f32 to vector<16x512xf32>
    %logistic3A_139 = arith.addf %logistic3A_138, %logistic3A_136 : vector<16x512xf32>
    %logistic3A_140 = arith.divf %logistic3A_138, %logistic3A_139 : vector<16x512xf32>
    %slice3A_141 = vector.extract_strided_slice %add3A_119 {offsets = [0, 512], sizes = [16, 512], strides = [1, 1]} : vector<16x2048xf32> to vector<16x512xf32>
    %logistic3A_142 = arith.negf %slice3A_141 : vector<16x512xf32>
    %logistic3A_143 = math.exp %logistic3A_142 : vector<16x512xf32>
    %logistic3A_144 = arith.constant 1.000000e+00 : f32
    %logistic3A_145 = vector.broadcast %logistic3A_144 : f32 to vector<16x512xf32>
    %logistic3A_146 = arith.addf %logistic3A_145, %logistic3A_143 : vector<16x512xf32>
    %logistic3A_147 = arith.divf %logistic3A_145, %logistic3A_146 : vector<16x512xf32>
    %slice3A_148 = vector.extract_strided_slice %add3A_119 {offsets = [0, 1024], sizes = [16, 512], strides = [1, 1]} : vector<16x2048xf32> to vector<16x512xf32>
    %tanh3A_149 = math.tanh %slice3A_148 : vector<16x512xf32>
    %slice3A_150 = vector.extract_strided_slice %add3A_119 {offsets = [0, 1536], sizes = [16, 512], strides = [1, 1]} : vector<16x2048xf32> to vector<16x512xf32>
    %logistic3A_151 = arith.negf %slice3A_150 : vector<16x512xf32>
    %logistic3A_152 = math.exp %logistic3A_151 : vector<16x512xf32>
    %logistic3A_153 = arith.constant 1.000000e+00 : f32
    %logistic3A_154 = vector.broadcast %logistic3A_153 : f32 to vector<16x512xf32>
    %logistic3A_155 = arith.addf %logistic3A_154, %logistic3A_152 : vector<16x512xf32>
    %logistic3A_156 = arith.divf %logistic3A_154, %logistic3A_155 : vector<16x512xf32>
    %mul3A_157 = arith.mulf %logistic3A_147, %add3A_62 : vector<16x512xf32>
    %mul3A_158 = arith.mulf %logistic3A_140, %tanh3A_149 : vector<16x512xf32>
    %add3A_159 = arith.addf %mul3A_157, %mul3A_158 : vector<16x512xf32>
    %tanh3A_160 = math.tanh %add3A_159 : vector<16x512xf32>
    %mul3A_161 = arith.mulf %logistic3A_156, %tanh3A_160 : vector<16x512xf32>
    %convert_element_type3A_162 = arith.truncf %mul3A_161 : vector<16x512xf32> to vector<16x512xbf16>
    %slice3A_163 = vector.extract_strided_slice %add3A_133 {offsets = [0, 0], sizes = [16, 512], strides = [1, 1]} : vector<16x2048xf32> to vector<16x512xf32>
    %logistic3A_164 = arith.negf %slice3A_163 : vector<16x512xf32>
    %logistic3A_165 = math.exp %logistic3A_164 : vector<16x512xf32>
    %logistic3A_166 = arith.constant 1.000000e+00 : f32
    %logistic3A_167 = vector.broadcast %logistic3A_166 : f32 to vector<16x512xf32>
    %logistic3A_168 = arith.addf %logistic3A_167, %logistic3A_165 : vector<16x512xf32>
    %logistic3A_169 = arith.divf %logistic3A_167, %logistic3A_168 : vector<16x512xf32>
    %slice3A_170 = vector.extract_strided_slice %add3A_133 {offsets = [0, 512], sizes = [16, 512], strides = [1, 1]} : vector<16x2048xf32> to vector<16x512xf32>
    %logistic3A_171 = arith.negf %slice3A_170 : vector<16x512xf32>
    %logistic3A_172 = math.exp %logistic3A_171 : vector<16x512xf32>
    %logistic3A_173 = arith.constant 1.000000e+00 : f32
    %logistic3A_174 = vector.broadcast %logistic3A_173 : f32 to vector<16x512xf32>
    %logistic3A_175 = arith.addf %logistic3A_174, %logistic3A_172 : vector<16x512xf32>
    %logistic3A_176 = arith.divf %logistic3A_174, %logistic3A_175 : vector<16x512xf32>
    %slice3A_177 = vector.extract_strided_slice %add3A_133 {offsets = [0, 1024], sizes = [16, 512], strides = [1, 1]} : vector<16x2048xf32> to vector<16x512xf32>
    %tanh3A_178 = math.tanh %slice3A_177 : vector<16x512xf32>
    %slice3A_179 = vector.extract_strided_slice %add3A_133 {offsets = [0, 1536], sizes = [16, 512], strides = [1, 1]} : vector<16x2048xf32> to vector<16x512xf32>
    %logistic3A_180 = arith.negf %slice3A_179 : vector<16x512xf32>
    %logistic3A_181 = math.exp %logistic3A_180 : vector<16x512xf32>
    %logistic3A_182 = arith.constant 1.000000e+00 : f32
    %logistic3A_183 = vector.broadcast %logistic3A_182 : f32 to vector<16x512xf32>
    %logistic3A_184 = arith.addf %logistic3A_183, %logistic3A_181 : vector<16x512xf32>
    %logistic3A_185 = arith.divf %logistic3A_183, %logistic3A_184 : vector<16x512xf32>
    %mul3A_186 = arith.mulf %logistic3A_176, %add3A_91 : vector<16x512xf32>
    %mul3A_187 = arith.mulf %logistic3A_169, %tanh3A_178 : vector<16x512xf32>
    %add3A_188 = arith.addf %mul3A_186, %mul3A_187 : vector<16x512xf32>
    %tanh3A_189 = math.tanh %add3A_188 : vector<16x512xf32>
    %mul3A_190 = arith.mulf %logistic3A_185, %tanh3A_189 : vector<16x512xf32>
    %convert_element_type3A_191 = arith.truncf %mul3A_190 : vector<16x512xf32> to vector<16x512xbf16>
    %swap3A_192 = arith.constant 1 : index
    %swap3A_193 = arith.constant 0 : index
    %swap3A_194 = arith.constant 0 : index
    %swap3A_195 = vector.load %arg3[%swap3A_192, %swap3A_193, %swap3A_194] : memref<8x16x1024xbf16, #tpu.memory_space<vmem>>, vector<1x16x512xbf16>
    %swap3A_196 = vector.shape_cast %swap3A_195 : vector<1x16x512xbf16> to vector<16x512xbf16>
    %swap3A_197 = vector.shape_cast %convert_element_type3A_162 : vector<16x512xbf16> to vector<1x16x512xbf16>
    tpu.vector_store %arg3[%swap3A_192, %swap3A_193, %swap3A_194], %swap3A_197 {strides = array<i32>} : memref<8x16x1024xbf16, #tpu.memory_space<vmem>>, vector<1x16x512xbf16>,
    %swap3A_198 = arith.constant 1 : index
    %swap3A_199 = arith.constant 0 : index
    %swap3A_200 = arith.constant 512 : index
    %swap3A_201 = vector.load %arg3[%swap3A_198, %swap3A_199, %swap3A_200] : memref<8x16x1024xbf16, #tpu.memory_space<vmem>>, vector<1x16x512xbf16>
    %swap3A_202 = vector.shape_cast %swap3A_201 : vector<1x16x512xbf16> to vector<16x512xbf16>
    %swap3A_203 = vector.shape_cast %convert_element_type3A_191 : vector<16x512xbf16> to vector<1x16x512xbf16>
    tpu.vector_store %arg3[%swap3A_198, %swap3A_199, %swap3A_200], %swap3A_203 {strides = array<i32>} : memref<8x16x1024xbf16, #tpu.memory_space<vmem>>, vector<1x16x512xbf16>,
    %get3A_204 = arith.constant 2 : index
    %get3A_205 = arith.constant 0 : index
    %get3A_206 = arith.constant 0 : index
    %get3A_207 = vector.load %arg1[%get3A_204, %get3A_205, %get3A_206] : memref<8x16x4096xbf16, #tpu.memory_space<vmem>>, vector<1x16x2048xbf16>
    %get3A_208 = vector.shape_cast %get3A_207 : vector<1x16x2048xbf16> to vector<16x2048xbf16>
    %slice3A_209 = vector.extract_strided_slice %get3A_13 {offsets = [0, 0], sizes = [512, 2048], strides = [1, 1]} : vector<1024x4096xbf16> to vector<512x2048xbf16>
    %dot_general3A_210 = arith.constant dense<0.000000e+00> : vector<16x2048xf32>
    %dot_general3A_211 = tpu.matmul %convert_element_type3A_162, %slice3A_209, %dot_general3A_210 {dimension_numbers = #tpu.dot_dimension_numbers<[1], [0], [0], [1], [0, 0, 1, 1], [], []>, transpose_lhs_hint = false} : vector<16x512xbf16>, vector<512x2048xbf16>, vector<16x2048xf32> -> vector<16x2048xf32>
    %convert_element_type3A_212 = arith.extf %get3A_208 : vector<16x2048xbf16> to vector<16x2048xf32>
    %add3A_213 = arith.addf %convert_element_type3A_212, %dot_general3A_211 : vector<16x2048xf32>
    %slice3A_214 = vector.extract_strided_slice %get3A_13 {offsets = [512, 0], sizes = [512, 2048], strides = [1, 1]} : vector<1024x4096xbf16> to vector<512x2048xbf16>
    %dot_general3A_215 = arith.constant dense<0.000000e+00> : vector<16x2048xf32>
    %dot_general3A_216 = tpu.matmul %convert_element_type3A_191, %slice3A_214, %dot_general3A_215 {dimension_numbers = #tpu.dot_dimension_numbers<[1], [0], [0], [1], [0, 0, 1, 1], [], []>, transpose_lhs_hint = false} : vector<16x512xbf16>, vector<512x2048xbf16>, vector<16x2048xf32> -> vector<16x2048xf32>
    %add3A_217 = arith.addf %add3A_213, %dot_general3A_216 : vector<16x2048xf32>
    %get3A_218 = arith.constant 2 : index
    %get3A_219 = arith.constant 0 : index
    %get3A_220 = arith.constant 2048 : index
    %get3A_221 = vector.load %arg1[%get3A_218, %get3A_219, %get3A_220] : memref<8x16x4096xbf16, #tpu.memory_space<vmem>>, vector<1x16x2048xbf16>
    %get3A_222 = vector.shape_cast %get3A_221 : vector<1x16x2048xbf16> to vector<16x2048xbf16>
    %slice3A_223 = vector.extract_strided_slice %get3A_13 {offsets = [0, 2048], sizes = [512, 2048], strides = [1, 1]} : vector<1024x4096xbf16> to vector<512x2048xbf16>
    %dot_general3A_224 = arith.constant dense<0.000000e+00> : vector<16x2048xf32>
    %dot_general3A_225 = tpu.matmul %convert_element_type3A_162, %slice3A_223, %dot_general3A_224 {dimension_numbers = #tpu.dot_dimension_numbers<[1], [0], [0], [1], [0, 0, 1, 1], [], []>, transpose_lhs_hint = false} : vector<16x512xbf16>, vector<512x2048xbf16>, vector<16x2048xf32> -> vector<16x2048xf32>
    %convert_element_type3A_226 = arith.extf %get3A_222 : vector<16x2048xbf16> to vector<16x2048xf32>
    %add3A_227 = arith.addf %convert_element_type3A_226, %dot_general3A_225 : vector<16x2048xf32>
    %slice3A_228 = vector.extract_strided_slice %get3A_13 {offsets = [512, 2048], sizes = [512, 2048], strides = [1, 1]} : vector<1024x4096xbf16> to vector<512x2048xbf16>
    %dot_general3A_229 = arith.constant dense<0.000000e+00> : vector<16x2048xf32>
    %dot_general3A_230 = tpu.matmul %convert_element_type3A_191, %slice3A_228, %dot_general3A_229 {dimension_numbers = #tpu.dot_dimension_numbers<[1], [0], [0], [1], [0, 0, 1, 1], [], []>, transpose_lhs_hint = false} : vector<16x512xbf16>, vector<512x2048xbf16>, vector<16x2048xf32> -> vector<16x2048xf32>
    %add3A_231 = arith.addf %add3A_227, %dot_general3A_230 : vector<16x2048xf32>
    %slice3A_232 = vector.extract_strided_slice %add3A_217 {offsets = [0, 0], sizes = [16, 512], strides = [1, 1]} : vector<16x2048xf32> to vector<16x512xf32>
    %logistic3A_233 = arith.negf %slice3A_232 : vector<16x512xf32>
    %logistic3A_234 = math.exp %logistic3A_233 : vector<16x512xf32>
    %logistic3A_235 = arith.constant 1.000000e+00 : f32
    %logistic3A_236 = vector.broadcast %logistic3A_235 : f32 to vector<16x512xf32>
    %logistic3A_237 = arith.addf %logistic3A_236, %logistic3A_234 : vector<16x512xf32>
    %logistic3A_238 = arith.divf %logistic3A_236, %logistic3A_237 : vector<16x512xf32>
    %slice3A_239 = vector.extract_strided_slice %add3A_217 {offsets = [0, 512], sizes = [16, 512], strides = [1, 1]} : vector<16x2048xf32> to vector<16x512xf32>
    %logistic3A_240 = arith.negf %slice3A_239 : vector<16x512xf32>
    %logistic3A_241 = math.exp %logistic3A_240 : vector<16x512xf32>
    %logistic3A_242 = arith.constant 1.000000e+00 : f32
    %logistic3A_243 = vector.broadcast %logistic3A_242 : f32 to vector<16x512xf32>
    %logistic3A_244 = arith.addf %logistic3A_243, %logistic3A_241 : vector<16x512xf32>
    %logistic3A_245 = arith.divf %logistic3A_243, %logistic3A_244 : vector<16x512xf32>
    %slice3A_246 = vector.extract_strided_slice %add3A_217 {offsets = [0, 1024], sizes = [16, 512], strides = [1, 1]} : vector<16x2048xf32> to vector<16x512xf32>
    %tanh3A_247 = math.tanh %slice3A_246 : vector<16x512xf32>
    %slice3A_248 = vector.extract_strided_slice %add3A_217 {offsets = [0, 1536], sizes = [16, 512], strides = [1, 1]} : vector<16x2048xf32> to vector<16x512xf32>
    %logistic3A_249 = arith.negf %slice3A_248 : vector<16x512xf32>
    %logistic3A_250 = math.exp %logistic3A_249 : vector<16x512xf32>
    %logistic3A_251 = arith.constant 1.000000e+00 : f32
    %logistic3A_252 = vector.broadcast %logistic3A_251 : f32 to vector<16x512xf32>
    %logistic3A_253 = arith.addf %logistic3A_252, %logistic3A_250 : vector<16x512xf32>
    %logistic3A_254 = arith.divf %logistic3A_252, %logistic3A_253 : vector<16x512xf32>
    %mul3A_255 = arith.mulf %logistic3A_245, %add3A_159 : vector<16x512xf32>
    %mul3A_256 = arith.mulf %logistic3A_238, %tanh3A_247 : vector<16x512xf32>
    %add3A_257 = arith.addf %mul3A_255, %mul3A_256 : vector<16x512xf32>
    %tanh3A_258 = math.tanh %add3A_257 : vector<16x512xf32>
    %mul3A_259 = arith.mulf %logistic3A_254, %tanh3A_258 : vector<16x512xf32>
    %convert_element_type3A_260 = arith.truncf %mul3A_259 : vector<16x512xf32> to vector<16x512xbf16>
    %slice3A_261 = vector.extract_strided_slice %add3A_231 {offsets = [0, 0], sizes = [16, 512], strides = [1, 1]} : vector<16x2048xf32> to vector<16x512xf32>
    %logistic3A_262 = arith.negf %slice3A_261 : vector<16x512xf32>
    %logistic3A_263 = math.exp %logistic3A_262 : vector<16x512xf32>
    %logistic3A_264 = arith.constant 1.000000e+00 : f32
    %logistic3A_265 = vector.broadcast %logistic3A_264 : f32 to vector<16x512xf32>
    %logistic3A_266 = arith.addf %logistic3A_265, %logistic3A_263 : vector<16x512xf32>
    %logistic3A_267 = arith.divf %logistic3A_265, %logistic3A_266 : vector<16x512xf32>
    %slice3A_268 = vector.extract_strided_slice %add3A_231 {offsets = [0, 512], sizes = [16, 512], strides = [1, 1]} : vector<16x2048xf32> to vector<16x512xf32>
    %logistic3A_269 = arith.negf %slice3A_268 : vector<16x512xf32>
    %logistic3A_270 = math.exp %logistic3A_269 : vector<16x512xf32>
    %logistic3A_271 = arith.constant 1.000000e+00 : f32
    %logistic3A_272 = vector.broadcast %logistic3A_271 : f32 to vector<16x512xf32>
    %logistic3A_273 = arith.addf %logistic3A_272, %logistic3A_270 : vector<16x512xf32>
    %logistic3A_274 = arith.divf %logistic3A_272, %logistic3A_273 : vector<16x512xf32>
    %slice3A_275 = vector.extract_strided_slice %add3A_231 {offsets = [0, 1024], sizes = [16, 512], strides = [1, 1]} : vector<16x2048xf32> to vector<16x512xf32>
    %tanh3A_276 = math.tanh %slice3A_275 : vector<16x512xf32>
    %slice3A_277 = vector.extract_strided_slice %add3A_231 {offsets = [0, 1536], sizes = [16, 512], strides = [1, 1]} : vector<16x2048xf32> to vector<16x512xf32>
    %logistic3A_278 = arith.negf %slice3A_277 : vector<16x512xf32>
    %logistic3A_279 = math.exp %logistic3A_278 : vector<16x512xf32>
    %logistic3A_280 = arith.constant 1.000000e+00 : f32
    %logistic3A_281 = vector.broadcast %logistic3A_280 : f32 to vector<16x512xf32>
    %logistic3A_282 = arith.addf %logistic3A_281, %logistic3A_279 : vector<16x512xf32>
    %logistic3A_283 = arith.divf %logistic3A_281, %logistic3A_282 : vector<16x512xf32>
    %mul3A_284 = arith.mulf %logistic3A_274, %add3A_188 : vector<16x512xf32>
    %mul3A_285 = arith.mulf %logistic3A_267, %tanh3A_276 : vector<16x512xf32>
    %add3A_286 = arith.addf %mul3A_284, %mul3A_285 : vector<16x512xf32>
    %tanh3A_287 = math.tanh %add3A_286 : vector<16x512xf32>
    %mul3A_288 = arith.mulf %logistic3A_283, %tanh3A_287 : vector<16x512xf32>
    %convert_element_type3A_289 = arith.truncf %mul3A_288 : vector<16x512xf32> to vector<16x512xbf16>
    %swap3A_290 = arith.constant 2 : index
    %swap3A_291 = arith.constant 0 : index
    %swap3A_292 = arith.constant 0 : index
    %swap3A_293 = vector.load %arg3[%swap3A_290, %swap3A_291, %swap3A_292] : memref<8x16x1024xbf16, #tpu.memory_space<vmem>>, vector<1x16x512xbf16>
    %swap3A_294 = vector.shape_cast %swap3A_293 : vector<1x16x512xbf16> to vector<16x512xbf16>
    %swap3A_295 = vector.shape_cast %convert_element_type3A_260 : vector<16x512xbf16> to vector<1x16x512xbf16>
    tpu.vector_store %arg3[%swap3A_290, %swap3A_291, %swap3A_292], %swap3A_295 {strides = array<i32>} : memref<8x16x1024xbf16, #tpu.memory_space<vmem>>, vector<1x16x512xbf16>,
    %swap3A_296 = arith.constant 2 : index
    %swap3A_297 = arith.constant 0 : index
    %swap3A_298 = arith.constant 512 : index
    %swap3A_299 = vector.load %arg3[%swap3A_296, %swap3A_297, %swap3A_298] : memref<8x16x1024xbf16, #tpu.memory_space<vmem>>, vector<1x16x512xbf16>
    %swap3A_300 = vector.shape_cast %swap3A_299 : vector<1x16x512xbf16> to vector<16x512xbf16>
    %swap3A_301 = vector.shape_cast %convert_element_type3A_289 : vector<16x512xbf16> to vector<1x16x512xbf16>
    tpu.vector_store %arg3[%swap3A_296, %swap3A_297, %swap3A_298], %swap3A_301 {strides = array<i32>} : memref<8x16x1024xbf16, #tpu.memory_space<vmem>>, vector<1x16x512xbf16>,
    %get3A_302 = arith.constant 3 : index
    %get3A_303 = arith.constant 0 : index
    %get3A_304 = arith.constant 0 : index
    %get3A_305 = vector.load %arg1[%get3A_302, %get3A_303, %get3A_304] : memref<8x16x4096xbf16, #tpu.memory_space<vmem>>, vector<1x16x2048xbf16>
    %get3A_306 = vector.shape_cast %get3A_305 : vector<1x16x2048xbf16> to vector<16x2048xbf16>
    %slice3A_307 = vector.extract_strided_slice %get3A_13 {offsets = [0, 0], sizes = [512, 2048], strides = [1, 1]} : vector<1024x4096xbf16> to vector<512x2048xbf16>
    %dot_general3A_308 = arith.constant dense<0.000000e+00> : vector<16x2048xf32>
    %dot_general3A_309 = tpu.matmul %convert_element_type3A_260, %slice3A_307, %dot_general3A_308 {dimension_numbers = #tpu.dot_dimension_numbers<[1], [0], [0], [1], [0, 0, 1, 1], [], []>, transpose_lhs_hint = false} : vector<16x512xbf16>, vector<512x2048xbf16>, vector<16x2048xf32> -> vector<16x2048xf32>
    %convert_element_type3A_310 = arith.extf %get3A_306 : vector<16x2048xbf16> to vector<16x2048xf32>
    %add3A_311 = arith.addf %convert_element_type3A_310, %dot_general3A_309 : vector<16x2048xf32>
    %slice3A_312 = vector.extract_strided_slice %get3A_13 {offsets = [512, 0], sizes = [512, 2048], strides = [1, 1]} : vector<1024x4096xbf16> to vector<512x2048xbf16>
    %dot_general3A_313 = arith.constant dense<0.000000e+00> : vector<16x2048xf32>
    %dot_general3A_314 = tpu.matmul %convert_element_type3A_289, %slice3A_312, %dot_general3A_313 {dimension_numbers = #tpu.dot_dimension_numbers<[1], [0], [0], [1], [0, 0, 1, 1], [], []>, transpose_lhs_hint = false} : vector<16x512xbf16>, vector<512x2048xbf16>, vector<16x2048xf32> -> vector<16x2048xf32>
    %add3A_315 = arith.addf %add3A_311, %dot_general3A_314 : vector<16x2048xf32>
    %get3A_316 = arith.constant 3 : index
    %get3A_317 = arith.constant 0 : index
    %get3A_318 = arith.constant 2048 : index
    %get3A_319 = vector.load %arg1[%get3A_316, %get3A_317, %get3A_318] : memref<8x16x4096xbf16, #tpu.memory_space<vmem>>, vector<1x16x2048xbf16>
    %get3A_320 = vector.shape_cast %get3A_319 : vector<1x16x2048xbf16> to vector<16x2048xbf16>
    %slice3A_321 = vector.extract_strided_slice %get3A_13 {offsets = [0, 2048], sizes = [512, 2048], strides = [1, 1]} : vector<1024x4096xbf16> to vector<512x2048xbf16>
    %dot_general3A_322 = arith.constant dense<0.000000e+00> : vector<16x2048xf32>
    %dot_general3A_323 = tpu.matmul %convert_element_type3A_260, %slice3A_321, %dot_general3A_322 {dimension_numbers = #tpu.dot_dimension_numbers<[1], [0], [0], [1], [0, 0, 1, 1], [], []>, transpose_lhs_hint = false} : vector<16x512xbf16>, vector<512x2048xbf16>, vector<16x2048xf32> -> vector<16x2048xf32>
    %convert_element_type3A_324 = arith.extf %get3A_320 : vector<16x2048xbf16> to vector<16x2048xf32>
    %add3A_325 = arith.addf %convert_element_type3A_324, %dot_general3A_323 : vector<16x2048xf32>
    %slice3A_326 = vector.extract_strided_slice %get3A_13 {offsets = [512, 2048], sizes = [512, 2048], strides = [1, 1]} : vector<1024x4096xbf16> to vector<512x2048xbf16>
    %dot_general3A_327 = arith.constant dense<0.000000e+00> : vector<16x2048xf32>
    %dot_general3A_328 = tpu.matmul %convert_element_type3A_289, %slice3A_326, %dot_general3A_327 {dimension_numbers = #tpu.dot_dimension_numbers<[1], [0], [0], [1], [0, 0, 1, 1], [], []>, transpose_lhs_hint = false} : vector<16x512xbf16>, vector<512x2048xbf16>, vector<16x2048xf32> -> vector<16x2048xf32>
    %add3A_329 = arith.addf %add3A_325, %dot_general3A_328 : vector<16x2048xf32>
    %slice3A_330 = vector.extract_strided_slice %add3A_315 {offsets = [0, 0], sizes = [16, 512], strides = [1, 1]} : vector<16x2048xf32> to vector<16x512xf32>
    %logistic3A_331 = arith.negf %slice3A_330 : vector<16x512xf32>
    %logistic3A_332 = math.exp %logistic3A_331 : vector<16x512xf32>
    %logistic3A_333 = arith.constant 1.000000e+00 : f32
    %logistic3A_334 = vector.broadcast %logistic3A_333 : f32 to vector<16x512xf32>
    %logistic3A_335 = arith.addf %logistic3A_334, %logistic3A_332 : vector<16x512xf32>
    %logistic3A_336 = arith.divf %logistic3A_334, %logistic3A_335 : vector<16x512xf32>
    %slice3A_337 = vector.extract_strided_slice %add3A_315 {offsets = [0, 512], sizes = [16, 512], strides = [1, 1]} : vector<16x2048xf32> to vector<16x512xf32>
    %logistic3A_338 = arith.negf %slice3A_337 : vector<16x512xf32>
    %logistic3A_339 = math.exp %logistic3A_338 : vector<16x512xf32>
    %logistic3A_340 = arith.constant 1.000000e+00 : f32
    %logistic3A_341 = vector.broadcast %logistic3A_340 : f32 to vector<16x512xf32>
    %logistic3A_342 = arith.addf %logistic3A_341, %logistic3A_339 : vector<16x512xf32>
    %logistic3A_343 = arith.divf %logistic3A_341, %logistic3A_342 : vector<16x512xf32>
    %slice3A_344 = vector.extract_strided_slice %add3A_315 {offsets = [0, 1024], sizes = [16, 512], strides = [1, 1]} : vector<16x2048xf32> to vector<16x512xf32>
    %tanh3A_345 = math.tanh %slice3A_344 : vector<16x512xf32>
    %slice3A_346 = vector.extract_strided_slice %add3A_315 {offsets = [0, 1536], sizes = [16, 512], strides = [1, 1]} : vector<16x2048xf32> to vector<16x512xf32>
    %logistic3A_347 = arith.negf %slice3A_346 : vector<16x512xf32>
    %logistic3A_348 = math.exp %logistic3A_347 : vector<16x512xf32>
    %logistic3A_349 = arith.constant 1.000000e+00 : f32
    %logistic3A_350 = vector.broadcast %logistic3A_349 : f32 to vector<16x512xf32>
    %logistic3A_351 = arith.addf %logistic3A_350, %logistic3A_348 : vector<16x512xf32>
    %logistic3A_352 = arith.divf %logistic3A_350, %logistic3A_351 : vector<16x512xf32>
    %mul3A_353 = arith.mulf %logistic3A_343, %add3A_257 : vector<16x512xf32>
    %mul3A_354 = arith.mulf %logistic3A_336, %tanh3A_345 : vector<16x512xf32>
    %add3A_355 = arith.addf %mul3A_353, %mul3A_354 : vector<16x512xf32>
    %tanh3A_356 = math.tanh %add3A_355 : vector<16x512xf32>
    %mul3A_357 = arith.mulf %logistic3A_352, %tanh3A_356 : vector<16x512xf32>
    %convert_element_type3A_358 = arith.truncf %mul3A_357 : vector<16x512xf32> to vector<16x512xbf16>
    %slice3A_359 = vector.extract_strided_slice %add3A_329 {offsets = [0, 0], sizes = [16, 512], strides = [1, 1]} : vector<16x2048xf32> to vector<16x512xf32>
    %logistic3A_360 = arith.negf %slice3A_359 : vector<16x512xf32>
    %logistic3A_361 = math.exp %logistic3A_360 : vector<16x512xf32>
    %logistic3A_362 = arith.constant 1.000000e+00 : f32
    %logistic3A_363 = vector.broadcast %logistic3A_362 : f32 to vector<16x512xf32>
    %logistic3A_364 = arith.addf %logistic3A_363, %logistic3A_361 : vector<16x512xf32>
    %logistic3A_365 = arith.divf %logistic3A_363, %logistic3A_364 : vector<16x512xf32>
    %slice3A_366 = vector.extract_strided_slice %add3A_329 {offsets = [0, 512], sizes = [16, 512], strides = [1, 1]} : vector<16x2048xf32> to vector<16x512xf32>
    %logistic3A_367 = arith.negf %slice3A_366 : vector<16x512xf32>
    %logistic3A_368 = math.exp %logistic3A_367 : vector<16x512xf32>
    %logistic3A_369 = arith.constant 1.000000e+00 : f32
    %logistic3A_370 = vector.broadcast %logistic3A_369 : f32 to vector<16x512xf32>
    %logistic3A_371 = arith.addf %logistic3A_370, %logistic3A_368 : vector<16x512xf32>
    %logistic3A_372 = arith.divf %logistic3A_370, %logistic3A_371 : vector<16x512xf32>
    %slice3A_373 = vector.extract_strided_slice %add3A_329 {offsets = [0, 1024], sizes = [16, 512], strides = [1, 1]} : vector<16x2048xf32> to vector<16x512xf32>
    %tanh3A_374 = math.tanh %slice3A_373 : vector<16x512xf32>
    %slice3A_375 = vector.extract_strided_slice %add3A_329 {offsets = [0, 1536], sizes = [16, 512], strides = [1, 1]} : vector<16x2048xf32> to vector<16x512xf32>
    %logistic3A_376 = arith.negf %slice3A_375 : vector<16x512xf32>
    %logistic3A_377 = math.exp %logistic3A_376 : vector<16x512xf32>
    %logistic3A_378 = arith.constant 1.000000e+00 : f32
    %logistic3A_379 = vector.broadcast %logistic3A_378 : f32 to vector<16x512xf32>
    %logistic3A_380 = arith.addf %logistic3A_379, %logistic3A_377 : vector<16x512xf32>
    %logistic3A_381 = arith.divf %logistic3A_379, %logistic3A_380 : vector<16x512xf32>
    %mul3A_382 = arith.mulf %logistic3A_372, %add3A_286 : vector<16x512xf32>
    %mul3A_383 = arith.mulf %logistic3A_365, %tanh3A_374 : vector<16x512xf32>
    %add3A_384 = arith.addf %mul3A_382, %mul3A_383 : vector<16x512xf32>
    %tanh3A_385 = math.tanh %add3A_384 : vector<16x512xf32>
    %mul3A_386 = arith.mulf %logistic3A_381, %tanh3A_385 : vector<16x512xf32>
    %convert_element_type3A_387 = arith.truncf %mul3A_386 : vector<16x512xf32> to vector<16x512xbf16>
    %swap3A_388 = arith.constant 3 : index
    %swap3A_389 = arith.constant 0 : index
    %swap3A_390 = arith.constant 0 : index
    %swap3A_391 = vector.load %arg3[%swap3A_388, %swap3A_389, %swap3A_390] : memref<8x16x1024xbf16, #tpu.memory_space<vmem>>, vector<1x16x512xbf16>
    %swap3A_392 = vector.shape_cast %swap3A_391 : vector<1x16x512xbf16> to vector<16x512xbf16>
    %swap3A_393 = vector.shape_cast %convert_element_type3A_358 : vector<16x512xbf16> to vector<1x16x512xbf16>
    tpu.vector_store %arg3[%swap3A_388, %swap3A_389, %swap3A_390], %swap3A_393 {strides = array<i32>} : memref<8x16x1024xbf16, #tpu.memory_space<vmem>>, vector<1x16x512xbf16>,
    %swap3A_394 = arith.constant 3 : index
    %swap3A_395 = arith.constant 0 : index
    %swap3A_396 = arith.constant 512 : index
    %swap3A_397 = vector.load %arg3[%swap3A_394, %swap3A_395, %swap3A_396] : memref<8x16x1024xbf16, #tpu.memory_space<vmem>>, vector<1x16x512xbf16>
    %swap3A_398 = vector.shape_cast %swap3A_397 : vector<1x16x512xbf16> to vector<16x512xbf16>
    %swap3A_399 = vector.shape_cast %convert_element_type3A_387 : vector<16x512xbf16> to vector<1x16x512xbf16>
    tpu.vector_store %arg3[%swap3A_394, %swap3A_395, %swap3A_396], %swap3A_399 {strides = array<i32>} : memref<8x16x1024xbf16, #tpu.memory_space<vmem>>, vector<1x16x512xbf16>,
    %get3A_400 = arith.constant 4 : index
    %get3A_401 = arith.constant 0 : index
    %get3A_402 = arith.constant 0 : index
    %get3A_403 = vector.load %arg1[%get3A_400, %get3A_401, %get3A_402] : memref<8x16x4096xbf16, #tpu.memory_space<vmem>>, vector<1x16x2048xbf16>
    %get3A_404 = vector.shape_cast %get3A_403 : vector<1x16x2048xbf16> to vector<16x2048xbf16>
    %slice3A_405 = vector.extract_strided_slice %get3A_13 {offsets = [0, 0], sizes = [512, 2048], strides = [1, 1]} : vector<1024x4096xbf16> to vector<512x2048xbf16>
    %dot_general3A_406 = arith.constant dense<0.000000e+00> : vector<16x2048xf32>
    %dot_general3A_407 = tpu.matmul %convert_element_type3A_358, %slice3A_405, %dot_general3A_406 {dimension_numbers = #tpu.dot_dimension_numbers<[1], [0], [0], [1], [0, 0, 1, 1], [], []>, transpose_lhs_hint = false} : vector<16x512xbf16>, vector<512x2048xbf16>, vector<16x2048xf32> -> vector<16x2048xf32>
    %convert_element_type3A_408 = arith.extf %get3A_404 : vector<16x2048xbf16> to vector<16x2048xf32>
    %add3A_409 = arith.addf %convert_element_type3A_408, %dot_general3A_407 : vector<16x2048xf32>
    %slice3A_410 = vector.extract_strided_slice %get3A_13 {offsets = [512, 0], sizes = [512, 2048], strides = [1, 1]} : vector<1024x4096xbf16> to vector<512x2048xbf16>
    %dot_general3A_411 = arith.constant dense<0.000000e+00> : vector<16x2048xf32>
    %dot_general3A_412 = tpu.matmul %convert_element_type3A_387, %slice3A_410, %dot_general3A_411 {dimension_numbers = #tpu.dot_dimension_numbers<[1], [0], [0], [1], [0, 0, 1, 1], [], []>, transpose_lhs_hint = false} : vector<16x512xbf16>, vector<512x2048xbf16>, vector<16x2048xf32> -> vector<16x2048xf32>
    %add3A_413 = arith.addf %add3A_409, %dot_general3A_412 : vector<16x2048xf32>
    %get3A_414 = arith.constant 4 : index
    %get3A_415 = arith.constant 0 : index
    %get3A_416 = arith.constant 2048 : index
    %get3A_417 = vector.load %arg1[%get3A_414, %get3A_415, %get3A_416] : memref<8x16x4096xbf16, #tpu.memory_space<vmem>>, vector<1x16x2048xbf16>
    %get3A_418 = vector.shape_cast %get3A_417 : vector<1x16x2048xbf16> to vector<16x2048xbf16>
    %slice3A_419 = vector.extract_strided_slice %get3A_13 {offsets = [0, 2048], sizes = [512, 2048], strides = [1, 1]} : vector<1024x4096xbf16> to vector<512x2048xbf16>
    %dot_general3A_420 = arith.constant dense<0.000000e+00> : vector<16x2048xf32>
    %dot_general3A_421 = tpu.matmul %convert_element_type3A_358, %slice3A_419, %dot_general3A_420 {dimension_numbers = #tpu.dot_dimension_numbers<[1], [0], [0], [1], [0, 0, 1, 1], [], []>, transpose_lhs_hint = false} : vector<16x512xbf16>, vector<512x2048xbf16>, vector<16x2048xf32> -> vector<16x2048xf32>
    %convert_element_type3A_422 = arith.extf %get3A_418 : vector<16x2048xbf16> to vector<16x2048xf32>
    %add3A_423 = arith.addf %convert_element_type3A_422, %dot_general3A_421 : vector<16x2048xf32>
    %slice3A_424 = vector.extract_strided_slice %get3A_13 {offsets = [512, 2048], sizes = [512, 2048], strides = [1, 1]} : vector<1024x4096xbf16> to vector<512x2048xbf16>
    %dot_general3A_425 = arith.constant dense<0.000000e+00> : vector<16x2048xf32>
    %dot_general3A_426 = tpu.matmul %convert_element_type3A_387, %slice3A_424, %dot_general3A_425 {dimension_numbers = #tpu.dot_dimension_numbers<[1], [0], [0], [1], [0, 0, 1, 1], [], []>, transpose_lhs_hint = false} : vector<16x512xbf16>, vector<512x2048xbf16>, vector<16x2048xf32> -> vector<16x2048xf32>
    %add3A_427 = arith.addf %add3A_423, %dot_general3A_426 : vector<16x2048xf32>
    %slice3A_428 = vector.extract_strided_slice %add3A_413 {offsets = [0, 0], sizes = [16, 512], strides = [1, 1]} : vector<16x2048xf32> to vector<16x512xf32>
    %logistic3A_429 = arith.negf %slice3A_428 : vector<16x512xf32>
    %logistic3A_430 = math.exp %logistic3A_429 : vector<16x512xf32>
    %logistic3A_431 = arith.constant 1.000000e+00 : f32
    %logistic3A_432 = vector.broadcast %logistic3A_431 : f32 to vector<16x512xf32>
    %logistic3A_433 = arith.addf %logistic3A_432, %logistic3A_430 : vector<16x512xf32>
    %logistic3A_434 = arith.divf %logistic3A_432, %logistic3A_433 : vector<16x512xf32>
    %slice3A_435 = vector.extract_strided_slice %add3A_413 {offsets = [0, 512], sizes = [16, 512], strides = [1, 1]} : vector<16x2048xf32> to vector<16x512xf32>
    %logistic3A_436 = arith.negf %slice3A_435 : vector<16x512xf32>
    %logistic3A_437 = math.exp %logistic3A_436 : vector<16x512xf32>
    %logistic3A_438 = arith.constant 1.000000e+00 : f32
    %logistic3A_439 = vector.broadcast %logistic3A_438 : f32 to vector<16x512xf32>
    %logistic3A_440 = arith.addf %logistic3A_439, %logistic3A_437 : vector<16x512xf32>
    %logistic3A_441 = arith.divf %logistic3A_439, %logistic3A_440 : vector<16x512xf32>
    %slice3A_442 = vector.extract_strided_slice %add3A_413 {offsets = [0, 1024], sizes = [16, 512], strides = [1, 1]} : vector<16x2048xf32> to vector<16x512xf32>
    %tanh3A_443 = math.tanh %slice3A_442 : vector<16x512xf32>
    %slice3A_444 = vector.extract_strided_slice %add3A_413 {offsets = [0, 1536], sizes = [16, 512], strides = [1, 1]} : vector<16x2048xf32> to vector<16x512xf32>
    %logistic3A_445 = arith.negf %slice3A_444 : vector<16x512xf32>
    %logistic3A_446 = math.exp %logistic3A_445 : vector<16x512xf32>
    %logistic3A_447 = arith.constant 1.000000e+00 : f32
    %logistic3A_448 = vector.broadcast %logistic3A_447 : f32 to vector<16x512xf32>
    %logistic3A_449 = arith.addf %logistic3A_448, %logistic3A_446 : vector<16x512xf32>
    %logistic3A_450 = arith.divf %logistic3A_448, %logistic3A_449 : vector<16x512xf32>
    %mul3A_451 = arith.mulf %logistic3A_441, %add3A_355 : vector<16x512xf32>
    %mul3A_452 = arith.mulf %logistic3A_434, %tanh3A_443 : vector<16x512xf32>
    %add3A_453 = arith.addf %mul3A_451, %mul3A_452 : vector<16x512xf32>
    %tanh3A_454 = math.tanh %add3A_453 : vector<16x512xf32>
    %mul3A_455 = arith.mulf %logistic3A_450, %tanh3A_454 : vector<16x512xf32>
    %convert_element_type3A_456 = arith.truncf %mul3A_455 : vector<16x512xf32> to vector<16x512xbf16>
    %slice3A_457 = vector.extract_strided_slice %add3A_427 {offsets = [0, 0], sizes = [16, 512], strides = [1, 1]} : vector<16x2048xf32> to vector<16x512xf32>
    %logistic3A_458 = arith.negf %slice3A_457 : vector<16x512xf32>
    %logistic3A_459 = math.exp %logistic3A_458 : vector<16x512xf32>
    %logistic3A_460 = arith.constant 1.000000e+00 : f32
    %logistic3A_461 = vector.broadcast %logistic3A_460 : f32 to vector<16x512xf32>
    %logistic3A_462 = arith.addf %logistic3A_461, %logistic3A_459 : vector<16x512xf32>
    %logistic3A_463 = arith.divf %logistic3A_461, %logistic3A_462 : vector<16x512xf32>
    %slice3A_464 = vector.extract_strided_slice %add3A_427 {offsets = [0, 512], sizes = [16, 512], strides = [1, 1]} : vector<16x2048xf32> to vector<16x512xf32>
    %logistic3A_465 = arith.negf %slice3A_464 : vector<16x512xf32>
    %logistic3A_466 = math.exp %logistic3A_465 : vector<16x512xf32>
    %logistic3A_467 = arith.constant 1.000000e+00 : f32
    %logistic3A_468 = vector.broadcast %logistic3A_467 : f32 to vector<16x512xf32>
    %logistic3A_469 = arith.addf %logistic3A_468, %logistic3A_466 : vector<16x512xf32>
    %logistic3A_470 = arith.divf %logistic3A_468, %logistic3A_469 : vector<16x512xf32>
    %slice3A_471 = vector.extract_strided_slice %add3A_427 {offsets = [0, 1024], sizes = [16, 512], strides = [1, 1]} : vector<16x2048xf32> to vector<16x512xf32>
    %tanh3A_472 = math.tanh %slice3A_471 : vector<16x512xf32>
    %slice3A_473 = vector.extract_strided_slice %add3A_427 {offsets = [0, 1536], sizes = [16, 512], strides = [1, 1]} : vector<16x2048xf32> to vector<16x512xf32>
    %logistic3A_474 = arith.negf %slice3A_473 : vector<16x512xf32>
    %logistic3A_475 = math.exp %logistic3A_474 : vector<16x512xf32>
    %logistic3A_476 = arith.constant 1.000000e+00 : f32
    %logistic3A_477 = vector.broadcast %logistic3A_476 : f32 to vector<16x512xf32>
    %logistic3A_478 = arith.addf %logistic3A_477, %logistic3A_475 : vector<16x512xf32>
    %logistic3A_479 = arith.divf %logistic3A_477, %logistic3A_478 : vector<16x512xf32>
    %mul3A_480 = arith.mulf %logistic3A_470, %add3A_384 : vector<16x512xf32>
    %mul3A_481 = arith.mulf %logistic3A_463, %tanh3A_472 : vector<16x512xf32>
    %add3A_482 = arith.addf %mul3A_480, %mul3A_481 : vector<16x512xf32>
    %tanh3A_483 = math.tanh %add3A_482 : vector<16x512xf32>
    %mul3A_484 = arith.mulf %logistic3A_479, %tanh3A_483 : vector<16x512xf32>
    %convert_element_type3A_485 = arith.truncf %mul3A_484 : vector<16x512xf32> to vector<16x512xbf16>
    %swap3A_486 = arith.constant 4 : index
    %swap3A_487 = arith.constant 0 : index
    %swap3A_488 = arith.constant 0 : index
    %swap3A_489 = vector.load %arg3[%swap3A_486, %swap3A_487, %swap3A_488] : memref<8x16x1024xbf16, #tpu.memory_space<vmem>>, vector<1x16x512xbf16>
    %swap3A_490 = vector.shape_cast %swap3A_489 : vector<1x16x512xbf16> to vector<16x512xbf16>
    %swap3A_491 = vector.shape_cast %convert_element_type3A_456 : vector<16x512xbf16> to vector<1x16x512xbf16>
    tpu.vector_store %arg3[%swap3A_486, %swap3A_487, %swap3A_488], %swap3A_491 {strides = array<i32>} : memref<8x16x1024xbf16, #tpu.memory_space<vmem>>, vector<1x16x512xbf16>,
    %swap3A_492 = arith.constant 4 : index
    %swap3A_493 = arith.constant 0 : index
    %swap3A_494 = arith.constant 512 : index
    %swap3A_495 = vector.load %arg3[%swap3A_492, %swap3A_493, %swap3A_494] : memref<8x16x1024xbf16, #tpu.memory_space<vmem>>, vector<1x16x512xbf16>
    %swap3A_496 = vector.shape_cast %swap3A_495 : vector<1x16x512xbf16> to vector<16x512xbf16>
    %swap3A_497 = vector.shape_cast %convert_element_type3A_485 : vector<16x512xbf16> to vector<1x16x512xbf16>
    tpu.vector_store %arg3[%swap3A_492, %swap3A_493, %swap3A_494], %swap3A_497 {strides = array<i32>} : memref<8x16x1024xbf16, #tpu.memory_space<vmem>>, vector<1x16x512xbf16>,
    %get3A_498 = arith.constant 5 : index
    %get3A_499 = arith.constant 0 : index
    %get3A_500 = arith.constant 0 : index
    %get3A_501 = vector.load %arg1[%get3A_498, %get3A_499, %get3A_500] : memref<8x16x4096xbf16, #tpu.memory_space<vmem>>, vector<1x16x2048xbf16>
    %get3A_502 = vector.shape_cast %get3A_501 : vector<1x16x2048xbf16> to vector<16x2048xbf16>
    %slice3A_503 = vector.extract_strided_slice %get3A_13 {offsets = [0, 0], sizes = [512, 2048], strides = [1, 1]} : vector<1024x4096xbf16> to vector<512x2048xbf16>
    %dot_general3A_504 = arith.constant dense<0.000000e+00> : vector<16x2048xf32>
    %dot_general3A_505 = tpu.matmul %convert_element_type3A_456, %slice3A_503, %dot_general3A_504 {dimension_numbers = #tpu.dot_dimension_numbers<[1], [0], [0], [1], [0, 0, 1, 1], [], []>, transpose_lhs_hint = false} : vector<16x512xbf16>, vector<512x2048xbf16>, vector<16x2048xf32> -> vector<16x2048xf32>
    %convert_element_type3A_506 = arith.extf %get3A_502 : vector<16x2048xbf16> to vector<16x2048xf32>
    %add3A_507 = arith.addf %convert_element_type3A_506, %dot_general3A_505 : vector<16x2048xf32>
    %slice3A_508 = vector.extract_strided_slice %get3A_13 {offsets = [512, 0], sizes = [512, 2048], strides = [1, 1]} : vector<1024x4096xbf16> to vector<512x2048xbf16>
    %dot_general3A_509 = arith.constant dense<0.000000e+00> : vector<16x2048xf32>
    %dot_general3A_510 = tpu.matmul %convert_element_type3A_485, %slice3A_508, %dot_general3A_509 {dimension_numbers = #tpu.dot_dimension_numbers<[1], [0], [0], [1], [0, 0, 1, 1], [], []>, transpose_lhs_hint = false} : vector<16x512xbf16>, vector<512x2048xbf16>, vector<16x2048xf32> -> vector<16x2048xf32>
    %add3A_511 = arith.addf %add3A_507, %dot_general3A_510 : vector<16x2048xf32>
    %get3A_512 = arith.constant 5 : index
    %get3A_513 = arith.constant 0 : index
    %get3A_514 = arith.constant 2048 : index
    %get3A_515 = vector.load %arg1[%get3A_512, %get3A_513, %get3A_514] : memref<8x16x4096xbf16, #tpu.memory_space<vmem>>, vector<1x16x2048xbf16>
    %get3A_516 = vector.shape_cast %get3A_515 : vector<1x16x2048xbf16> to vector<16x2048xbf16>
    %slice3A_517 = vector.extract_strided_slice %get3A_13 {offsets = [0, 2048], sizes = [512, 2048], strides = [1, 1]} : vector<1024x4096xbf16> to vector<512x2048xbf16>
    %dot_general3A_518 = arith.constant dense<0.000000e+00> : vector<16x2048xf32>
    %dot_general3A_519 = tpu.matmul %convert_element_type3A_456, %slice3A_517, %dot_general3A_518 {dimension_numbers = #tpu.dot_dimension_numbers<[1], [0], [0], [1], [0, 0, 1, 1], [], []>, transpose_lhs_hint = false} : vector<16x512xbf16>, vector<512x2048xbf16>, vector<16x2048xf32> -> vector<16x2048xf32>
    %convert_element_type3A_520 = arith.extf %get3A_516 : vector<16x2048xbf16> to vector<16x2048xf32>
    %add3A_521 = arith.addf %convert_element_type3A_520, %dot_general3A_519 : vector<16x2048xf32>
    %slice3A_522 = vector.extract_strided_slice %get3A_13 {offsets = [512, 2048], sizes = [512, 2048], strides = [1, 1]} : vector<1024x4096xbf16> to vector<512x2048xbf16>
    %dot_general3A_523 = arith.constant dense<0.000000e+00> : vector<16x2048xf32>
    %dot_general3A_524 = tpu.matmul %convert_element_type3A_485, %slice3A_522, %dot_general3A_523 {dimension_numbers = #tpu.dot_dimension_numbers<[1], [0], [0], [1], [0, 0, 1, 1], [], []>, transpose_lhs_hint = false} : vector<16x512xbf16>, vector<512x2048xbf16>, vector<16x2048xf32> -> vector<16x2048xf32>
    %add3A_525 = arith.addf %add3A_521, %dot_general3A_524 : vector<16x2048xf32>
    %slice3A_526 = vector.extract_strided_slice %add3A_511 {offsets = [0, 0], sizes = [16, 512], strides = [1, 1]} : vector<16x2048xf32> to vector<16x512xf32>
    %logistic3A_527 = arith.negf %slice3A_526 : vector<16x512xf32>
    %logistic3A_528 = math.exp %logistic3A_527 : vector<16x512xf32>
    %logistic3A_529 = arith.constant 1.000000e+00 : f32
    %logistic3A_530 = vector.broadcast %logistic3A_529 : f32 to vector<16x512xf32>
    %logistic3A_531 = arith.addf %logistic3A_530, %logistic3A_528 : vector<16x512xf32>
    %logistic3A_532 = arith.divf %logistic3A_530, %logistic3A_531 : vector<16x512xf32>
    %slice3A_533 = vector.extract_strided_slice %add3A_511 {offsets = [0, 512], sizes = [16, 512], strides = [1, 1]} : vector<16x2048xf32> to vector<16x512xf32>
    %logistic3A_534 = arith.negf %slice3A_533 : vector<16x512xf32>
    %logistic3A_535 = math.exp %logistic3A_534 : vector<16x512xf32>
    %logistic3A_536 = arith.constant 1.000000e+00 : f32
    %logistic3A_537 = vector.broadcast %logistic3A_536 : f32 to vector<16x512xf32>
    %logistic3A_538 = arith.addf %logistic3A_537, %logistic3A_535 : vector<16x512xf32>
    %logistic3A_539 = arith.divf %logistic3A_537, %logistic3A_538 : vector<16x512xf32>
    %slice3A_540 = vector.extract_strided_slice %add3A_511 {offsets = [0, 1024], sizes = [16, 512], strides = [1, 1]} : vector<16x2048xf32> to vector<16x512xf32>
    %tanh3A_541 = math.tanh %slice3A_540 : vector<16x512xf32>
    %slice3A_542 = vector.extract_strided_slice %add3A_511 {offsets = [0, 1536], sizes = [16, 512], strides = [1, 1]} : vector<16x2048xf32> to vector<16x512xf32>
    %logistic3A_543 = arith.negf %slice3A_542 : vector<16x512xf32>
    %logistic3A_544 = math.exp %logistic3A_543 : vector<16x512xf32>
    %logistic3A_545 = arith.constant 1.000000e+00 : f32
    %logistic3A_546 = vector.broadcast %logistic3A_545 : f32 to vector<16x512xf32>
    %logistic3A_547 = arith.addf %logistic3A_546, %logistic3A_544 : vector<16x512xf32>
    %logistic3A_548 = arith.divf %logistic3A_546, %logistic3A_547 : vector<16x512xf32>
    %mul3A_549 = arith.mulf %logistic3A_539, %add3A_453 : vector<16x512xf32>
    %mul3A_550 = arith.mulf %logistic3A_532, %tanh3A_541 : vector<16x512xf32>
    %add3A_551 = arith.addf %mul3A_549, %mul3A_550 : vector<16x512xf32>
    %tanh3A_552 = math.tanh %add3A_551 : vector<16x512xf32>
    %mul3A_553 = arith.mulf %logistic3A_548, %tanh3A_552 : vector<16x512xf32>
    %convert_element_type3A_554 = arith.truncf %mul3A_553 : vector<16x512xf32> to vector<16x512xbf16>
    %slice3A_555 = vector.extract_strided_slice %add3A_525 {offsets = [0, 0], sizes = [16, 512], strides = [1, 1]} : vector<16x2048xf32> to vector<16x512xf32>
    %logistic3A_556 = arith.negf %slice3A_555 : vector<16x512xf32>
    %logistic3A_557 = math.exp %logistic3A_556 : vector<16x512xf32>
    %logistic3A_558 = arith.constant 1.000000e+00 : f32
    %logistic3A_559 = vector.broadcast %logistic3A_558 : f32 to vector<16x512xf32>
    %logistic3A_560 = arith.addf %logistic3A_559, %logistic3A_557 : vector<16x512xf32>
    %logistic3A_561 = arith.divf %logistic3A_559, %logistic3A_560 : vector<16x512xf32>
    %slice3A_562 = vector.extract_strided_slice %add3A_525 {offsets = [0, 512], sizes = [16, 512], strides = [1, 1]} : vector<16x2048xf32> to vector<16x512xf32>
    %logistic3A_563 = arith.negf %slice3A_562 : vector<16x512xf32>
    %logistic3A_564 = math.exp %logistic3A_563 : vector<16x512xf32>
    %logistic3A_565 = arith.constant 1.000000e+00 : f32
    %logistic3A_566 = vector.broadcast %logistic3A_565 : f32 to vector<16x512xf32>
    %logistic3A_567 = arith.addf %logistic3A_566, %logistic3A_564 : vector<16x512xf32>
    %logistic3A_568 = arith.divf %logistic3A_566, %logistic3A_567 : vector<16x512xf32>
    %slice3A_569 = vector.extract_strided_slice %add3A_525 {offsets = [0, 1024], sizes = [16, 512], strides = [1, 1]} : vector<16x2048xf32> to vector<16x512xf32>
    %tanh3A_570 = math.tanh %slice3A_569 : vector<16x512xf32>
    %slice3A_571 = vector.extract_strided_slice %add3A_525 {offsets = [0, 1536], sizes = [16, 512], strides = [1, 1]} : vector<16x2048xf32> to vector<16x512xf32>
    %logistic3A_572 = arith.negf %slice3A_571 : vector<16x512xf32>
    %logistic3A_573 = math.exp %logistic3A_572 : vector<16x512xf32>
    %logistic3A_574 = arith.constant 1.000000e+00 : f32
    %logistic3A_575 = vector.broadcast %logistic3A_574 : f32 to vector<16x512xf32>
    %logistic3A_576 = arith.addf %logistic3A_575, %logistic3A_573 : vector<16x512xf32>
    %logistic3A_577 = arith.divf %logistic3A_575, %logistic3A_576 : vector<16x512xf32>
    %mul3A_578 = arith.mulf %logistic3A_568, %add3A_482 : vector<16x512xf32>
    %mul3A_579 = arith.mulf %logistic3A_561, %tanh3A_570 : vector<16x512xf32>
    %add3A_580 = arith.addf %mul3A_578, %mul3A_579 : vector<16x512xf32>
    %tanh3A_581 = math.tanh %add3A_580 : vector<16x512xf32>
    %mul3A_582 = arith.mulf %logistic3A_577, %tanh3A_581 : vector<16x512xf32>
    %convert_element_type3A_583 = arith.truncf %mul3A_582 : vector<16x512xf32> to vector<16x512xbf16>
    %swap3A_584 = arith.constant 5 : index
    %swap3A_585 = arith.constant 0 : index
    %swap3A_586 = arith.constant 0 : index
    %swap3A_587 = vector.load %arg3[%swap3A_584, %swap3A_585, %swap3A_586] : memref<8x16x1024xbf16, #tpu.memory_space<vmem>>, vector<1x16x512xbf16>
    %swap3A_588 = vector.shape_cast %swap3A_587 : vector<1x16x512xbf16> to vector<16x512xbf16>
    %swap3A_589 = vector.shape_cast %convert_element_type3A_554 : vector<16x512xbf16> to vector<1x16x512xbf16>
    tpu.vector_store %arg3[%swap3A_584, %swap3A_585, %swap3A_586], %swap3A_589 {strides = array<i32>} : memref<8x16x1024xbf16, #tpu.memory_space<vmem>>, vector<1x16x512xbf16>,
    %swap3A_590 = arith.constant 5 : index
    %swap3A_591 = arith.constant 0 : index
    %swap3A_592 = arith.constant 512 : index
    %swap3A_593 = vector.load %arg3[%swap3A_590, %swap3A_591, %swap3A_592] : memref<8x16x1024xbf16, #tpu.memory_space<vmem>>, vector<1x16x512xbf16>
    %swap3A_594 = vector.shape_cast %swap3A_593 : vector<1x16x512xbf16> to vector<16x512xbf16>
    %swap3A_595 = vector.shape_cast %convert_element_type3A_583 : vector<16x512xbf16> to vector<1x16x512xbf16>
    tpu.vector_store %arg3[%swap3A_590, %swap3A_591, %swap3A_592], %swap3A_595 {strides = array<i32>} : memref<8x16x1024xbf16, #tpu.memory_space<vmem>>, vector<1x16x512xbf16>,
    %get3A_596 = arith.constant 6 : index
    %get3A_597 = arith.constant 0 : index
    %get3A_598 = arith.constant 0 : index
    %get3A_599 = vector.load %arg1[%get3A_596, %get3A_597, %get3A_598] : memref<8x16x4096xbf16, #tpu.memory_space<vmem>>, vector<1x16x2048xbf16>
    %get3A_600 = vector.shape_cast %get3A_599 : vector<1x16x2048xbf16> to vector<16x2048xbf16>
    %slice3A_601 = vector.extract_strided_slice %get3A_13 {offsets = [0, 0], sizes = [512, 2048], strides = [1, 1]} : vector<1024x4096xbf16> to vector<512x2048xbf16>
    %dot_general3A_602 = arith.constant dense<0.000000e+00> : vector<16x2048xf32>
    %dot_general3A_603 = tpu.matmul %convert_element_type3A_554, %slice3A_601, %dot_general3A_602 {dimension_numbers = #tpu.dot_dimension_numbers<[1], [0], [0], [1], [0, 0, 1, 1], [], []>, transpose_lhs_hint = false} : vector<16x512xbf16>, vector<512x2048xbf16>, vector<16x2048xf32> -> vector<16x2048xf32>
    %convert_element_type3A_604 = arith.extf %get3A_600 : vector<16x2048xbf16> to vector<16x2048xf32>
    %add3A_605 = arith.addf %convert_element_type3A_604, %dot_general3A_603 : vector<16x2048xf32>
    %slice3A_606 = vector.extract_strided_slice %get3A_13 {offsets = [512, 0], sizes = [512, 2048], strides = [1, 1]} : vector<1024x4096xbf16> to vector<512x2048xbf16>
    %dot_general3A_607 = arith.constant dense<0.000000e+00> : vector<16x2048xf32>
    %dot_general3A_608 = tpu.matmul %convert_element_type3A_583, %slice3A_606, %dot_general3A_607 {dimension_numbers = #tpu.dot_dimension_numbers<[1], [0], [0], [1], [0, 0, 1, 1], [], []>, transpose_lhs_hint = false} : vector<16x512xbf16>, vector<512x2048xbf16>, vector<16x2048xf32> -> vector<16x2048xf32>
    %add3A_609 = arith.addf %add3A_605, %dot_general3A_608 : vector<16x2048xf32>
    %get3A_610 = arith.constant 6 : index
    %get3A_611 = arith.constant 0 : index
    %get3A_612 = arith.constant 2048 : index
    %get3A_613 = vector.load %arg1[%get3A_610, %get3A_611, %get3A_612] : memref<8x16x4096xbf16, #tpu.memory_space<vmem>>, vector<1x16x2048xbf16>
    %get3A_614 = vector.shape_cast %get3A_613 : vector<1x16x2048xbf16> to vector<16x2048xbf16>
    %slice3A_615 = vector.extract_strided_slice %get3A_13 {offsets = [0, 2048], sizes = [512, 2048], strides = [1, 1]} : vector<1024x4096xbf16> to vector<512x2048xbf16>
    %dot_general3A_616 = arith.constant dense<0.000000e+00> : vector<16x2048xf32>
    %dot_general3A_617 = tpu.matmul %convert_element_type3A_554, %slice3A_615, %dot_general3A_616 {dimension_numbers = #tpu.dot_dimension_numbers<[1], [0], [0], [1], [0, 0, 1, 1], [], []>, transpose_lhs_hint = false} : vector<16x512xbf16>, vector<512x2048xbf16>, vector<16x2048xf32> -> vector<16x2048xf32>
    %convert_element_type3A_618 = arith.extf %get3A_614 : vector<16x2048xbf16> to vector<16x2048xf32>
    %add3A_619 = arith.addf %convert_element_type3A_618, %dot_general3A_617 : vector<16x2048xf32>
    %slice3A_620 = vector.extract_strided_slice %get3A_13 {offsets = [512, 2048], sizes = [512, 2048], strides = [1, 1]} : vector<1024x4096xbf16> to vector<512x2048xbf16>
    %dot_general3A_621 = arith.constant dense<0.000000e+00> : vector<16x2048xf32>
    %dot_general3A_622 = tpu.matmul %convert_element_type3A_583, %slice3A_620, %dot_general3A_621 {dimension_numbers = #tpu.dot_dimension_numbers<[1], [0], [0], [1], [0, 0, 1, 1], [], []>, transpose_lhs_hint = false} : vector<16x512xbf16>, vector<512x2048xbf16>, vector<16x2048xf32> -> vector<16x2048xf32>
    %add3A_623 = arith.addf %add3A_619, %dot_general3A_622 : vector<16x2048xf32>
    %slice3A_624 = vector.extract_strided_slice %add3A_609 {offsets = [0, 0], sizes = [16, 512], strides = [1, 1]} : vector<16x2048xf32> to vector<16x512xf32>
    %logistic3A_625 = arith.negf %slice3A_624 : vector<16x512xf32>
    %logistic3A_626 = math.exp %logistic3A_625 : vector<16x512xf32>
    %logistic3A_627 = arith.constant 1.000000e+00 : f32
    %logistic3A_628 = vector.broadcast %logistic3A_627 : f32 to vector<16x512xf32>
    %logistic3A_629 = arith.addf %logistic3A_628, %logistic3A_626 : vector<16x512xf32>
    %logistic3A_630 = arith.divf %logistic3A_628, %logistic3A_629 : vector<16x512xf32>
    %slice3A_631 = vector.extract_strided_slice %add3A_609 {offsets = [0, 512], sizes = [16, 512], strides = [1, 1]} : vector<16x2048xf32> to vector<16x512xf32>
    %logistic3A_632 = arith.negf %slice3A_631 : vector<16x512xf32>
    %logistic3A_633 = math.exp %logistic3A_632 : vector<16x512xf32>
    %logistic3A_634 = arith.constant 1.000000e+00 : f32
    %logistic3A_635 = vector.broadcast %logistic3A_634 : f32 to vector<16x512xf32>
    %logistic3A_636 = arith.addf %logistic3A_635, %logistic3A_633 : vector<16x512xf32>
    %logistic3A_637 = arith.divf %logistic3A_635, %logistic3A_636 : vector<16x512xf32>
    %slice3A_638 = vector.extract_strided_slice %add3A_609 {offsets = [0, 1024], sizes = [16, 512], strides = [1, 1]} : vector<16x2048xf32> to vector<16x512xf32>
    %tanh3A_639 = math.tanh %slice3A_638 : vector<16x512xf32>
    %slice3A_640 = vector.extract_strided_slice %add3A_609 {offsets = [0, 1536], sizes = [16, 512], strides = [1, 1]} : vector<16x2048xf32> to vector<16x512xf32>
    %logistic3A_641 = arith.negf %slice3A_640 : vector<16x512xf32>
    %logistic3A_642 = math.exp %logistic3A_641 : vector<16x512xf32>
    %logistic3A_643 = arith.constant 1.000000e+00 : f32
    %logistic3A_644 = vector.broadcast %logistic3A_643 : f32 to vector<16x512xf32>
    %logistic3A_645 = arith.addf %logistic3A_644, %logistic3A_642 : vector<16x512xf32>
    %logistic3A_646 = arith.divf %logistic3A_644, %logistic3A_645 : vector<16x512xf32>
    %mul3A_647 = arith.mulf %logistic3A_637, %add3A_551 : vector<16x512xf32>
    %mul3A_648 = arith.mulf %logistic3A_630, %tanh3A_639 : vector<16x512xf32>
    %add3A_649 = arith.addf %mul3A_647, %mul3A_648 : vector<16x512xf32>
    %tanh3A_650 = math.tanh %add3A_649 : vector<16x512xf32>
    %mul3A_651 = arith.mulf %logistic3A_646, %tanh3A_650 : vector<16x512xf32>
    %convert_element_type3A_652 = arith.truncf %mul3A_651 : vector<16x512xf32> to vector<16x512xbf16>
    %slice3A_653 = vector.extract_strided_slice %add3A_623 {offsets = [0, 0], sizes = [16, 512], strides = [1, 1]} : vector<16x2048xf32> to vector<16x512xf32>
    %logistic3A_654 = arith.negf %slice3A_653 : vector<16x512xf32>
    %logistic3A_655 = math.exp %logistic3A_654 : vector<16x512xf32>
    %logistic3A_656 = arith.constant 1.000000e+00 : f32
    %logistic3A_657 = vector.broadcast %logistic3A_656 : f32 to vector<16x512xf32>
    %logistic3A_658 = arith.addf %logistic3A_657, %logistic3A_655 : vector<16x512xf32>
    %logistic3A_659 = arith.divf %logistic3A_657, %logistic3A_658 : vector<16x512xf32>
    %slice3A_660 = vector.extract_strided_slice %add3A_623 {offsets = [0, 512], sizes = [16, 512], strides = [1, 1]} : vector<16x2048xf32> to vector<16x512xf32>
    %logistic3A_661 = arith.negf %slice3A_660 : vector<16x512xf32>
    %logistic3A_662 = math.exp %logistic3A_661 : vector<16x512xf32>
    %logistic3A_663 = arith.constant 1.000000e+00 : f32
    %logistic3A_664 = vector.broadcast %logistic3A_663 : f32 to vector<16x512xf32>
    %logistic3A_665 = arith.addf %logistic3A_664, %logistic3A_662 : vector<16x512xf32>
    %logistic3A_666 = arith.divf %logistic3A_664, %logistic3A_665 : vector<16x512xf32>
    %slice3A_667 = vector.extract_strided_slice %add3A_623 {offsets = [0, 1024], sizes = [16, 512], strides = [1, 1]} : vector<16x2048xf32> to vector<16x512xf32>
    %tanh3A_668 = math.tanh %slice3A_667 : vector<16x512xf32>
    %slice3A_669 = vector.extract_strided_slice %add3A_623 {offsets = [0, 1536], sizes = [16, 512], strides = [1, 1]} : vector<16x2048xf32> to vector<16x512xf32>
    %logistic3A_670 = arith.negf %slice3A_669 : vector<16x512xf32>
    %logistic3A_671 = math.exp %logistic3A_670 : vector<16x512xf32>
    %logistic3A_672 = arith.constant 1.000000e+00 : f32
    %logistic3A_673 = vector.broadcast %logistic3A_672 : f32 to vector<16x512xf32>
    %logistic3A_674 = arith.addf %logistic3A_673, %logistic3A_671 : vector<16x512xf32>
    %logistic3A_675 = arith.divf %logistic3A_673, %logistic3A_674 : vector<16x512xf32>
    %mul3A_676 = arith.mulf %logistic3A_666, %add3A_580 : vector<16x512xf32>
    %mul3A_677 = arith.mulf %logistic3A_659, %tanh3A_668 : vector<16x512xf32>
    %add3A_678 = arith.addf %mul3A_676, %mul3A_677 : vector<16x512xf32>
    %tanh3A_679 = math.tanh %add3A_678 : vector<16x512xf32>
    %mul3A_680 = arith.mulf %logistic3A_675, %tanh3A_679 : vector<16x512xf32>
    %convert_element_type3A_681 = arith.truncf %mul3A_680 : vector<16x512xf32> to vector<16x512xbf16>
    %swap3A_682 = arith.constant 6 : index
    %swap3A_683 = arith.constant 0 : index
    %swap3A_684 = arith.constant 0 : index
    %swap3A_685 = vector.load %arg3[%swap3A_682, %swap3A_683, %swap3A_684] : memref<8x16x1024xbf16, #tpu.memory_space<vmem>>, vector<1x16x512xbf16>
    %swap3A_686 = vector.shape_cast %swap3A_685 : vector<1x16x512xbf16> to vector<16x512xbf16>
    %swap3A_687 = vector.shape_cast %convert_element_type3A_652 : vector<16x512xbf16> to vector<1x16x512xbf16>
    tpu.vector_store %arg3[%swap3A_682, %swap3A_683, %swap3A_684], %swap3A_687 {strides = array<i32>} : memref<8x16x1024xbf16, #tpu.memory_space<vmem>>, vector<1x16x512xbf16>,
    %swap3A_688 = arith.constant 6 : index
    %swap3A_689 = arith.constant 0 : index
    %swap3A_690 = arith.constant 512 : index
    %swap3A_691 = vector.load %arg3[%swap3A_688, %swap3A_689, %swap3A_690] : memref<8x16x1024xbf16, #tpu.memory_space<vmem>>, vector<1x16x512xbf16>
    %swap3A_692 = vector.shape_cast %swap3A_691 : vector<1x16x512xbf16> to vector<16x512xbf16>
    %swap3A_693 = vector.shape_cast %convert_element_type3A_681 : vector<16x512xbf16> to vector<1x16x512xbf16>
    tpu.vector_store %arg3[%swap3A_688, %swap3A_689, %swap3A_690], %swap3A_693 {strides = array<i32>} : memref<8x16x1024xbf16, #tpu.memory_space<vmem>>, vector<1x16x512xbf16>,
    %get3A_694 = arith.constant 7 : index
    %get3A_695 = arith.constant 0 : index
    %get3A_696 = arith.constant 0 : index
    %get3A_697 = vector.load %arg1[%get3A_694, %get3A_695, %get3A_696] : memref<8x16x4096xbf16, #tpu.memory_space<vmem>>, vector<1x16x2048xbf16>
    %get3A_698 = vector.shape_cast %get3A_697 : vector<1x16x2048xbf16> to vector<16x2048xbf16>
    %slice3A_699 = vector.extract_strided_slice %get3A_13 {offsets = [0, 0], sizes = [512, 2048], strides = [1, 1]} : vector<1024x4096xbf16> to vector<512x2048xbf16>
    %dot_general3A_700 = arith.constant dense<0.000000e+00> : vector<16x2048xf32>
    %dot_general3A_701 = tpu.matmul %convert_element_type3A_652, %slice3A_699, %dot_general3A_700 {dimension_numbers = #tpu.dot_dimension_numbers<[1], [0], [0], [1], [0, 0, 1, 1], [], []>, transpose_lhs_hint = false} : vector<16x512xbf16>, vector<512x2048xbf16>, vector<16x2048xf32> -> vector<16x2048xf32>
    %convert_element_type3A_702 = arith.extf %get3A_698 : vector<16x2048xbf16> to vector<16x2048xf32>
    %add3A_703 = arith.addf %convert_element_type3A_702, %dot_general3A_701 : vector<16x2048xf32>
    %slice3A_704 = vector.extract_strided_slice %get3A_13 {offsets = [512, 0], sizes = [512, 2048], strides = [1, 1]} : vector<1024x4096xbf16> to vector<512x2048xbf16>
    %dot_general3A_705 = arith.constant dense<0.000000e+00> : vector<16x2048xf32>
    %dot_general3A_706 = tpu.matmul %convert_element_type3A_681, %slice3A_704, %dot_general3A_705 {dimension_numbers = #tpu.dot_dimension_numbers<[1], [0], [0], [1], [0, 0, 1, 1], [], []>, transpose_lhs_hint = false} : vector<16x512xbf16>, vector<512x2048xbf16>, vector<16x2048xf32> -> vector<16x2048xf32>
    %add3A_707 = arith.addf %add3A_703, %dot_general3A_706 : vector<16x2048xf32>
    %get3A_708 = arith.constant 7 : index
    %get3A_709 = arith.constant 0 : index
    %get3A_710 = arith.constant 2048 : index
    %get3A_711 = vector.load %arg1[%get3A_708, %get3A_709, %get3A_710] : memref<8x16x4096xbf16, #tpu.memory_space<vmem>>, vector<1x16x2048xbf16>
    %get3A_712 = vector.shape_cast %get3A_711 : vector<1x16x2048xbf16> to vector<16x2048xbf16>
    %slice3A_713 = vector.extract_strided_slice %get3A_13 {offsets = [0, 2048], sizes = [512, 2048], strides = [1, 1]} : vector<1024x4096xbf16> to vector<512x2048xbf16>
    %dot_general3A_714 = arith.constant dense<0.000000e+00> : vector<16x2048xf32>
    %dot_general3A_715 = tpu.matmul %convert_element_type3A_652, %slice3A_713, %dot_general3A_714 {dimension_numbers = #tpu.dot_dimension_numbers<[1], [0], [0], [1], [0, 0, 1, 1], [], []>, transpose_lhs_hint = false} : vector<16x512xbf16>, vector<512x2048xbf16>, vector<16x2048xf32> -> vector<16x2048xf32>
    %convert_element_type3A_716 = arith.extf %get3A_712 : vector<16x2048xbf16> to vector<16x2048xf32>
    %add3A_717 = arith.addf %convert_element_type3A_716, %dot_general3A_715 : vector<16x2048xf32>
    %slice3A_718 = vector.extract_strided_slice %get3A_13 {offsets = [512, 2048], sizes = [512, 2048], strides = [1, 1]} : vector<1024x4096xbf16> to vector<512x2048xbf16>
    %dot_general3A_719 = arith.constant dense<0.000000e+00> : vector<16x2048xf32>
    %dot_general3A_720 = tpu.matmul %convert_element_type3A_681, %slice3A_718, %dot_general3A_719 {dimension_numbers = #tpu.dot_dimension_numbers<[1], [0], [0], [1], [0, 0, 1, 1], [], []>, transpose_lhs_hint = false} : vector<16x512xbf16>, vector<512x2048xbf16>, vector<16x2048xf32> -> vector<16x2048xf32>
    %add3A_721 = arith.addf %add3A_717, %dot_general3A_720 : vector<16x2048xf32>
    %slice3A_722 = vector.extract_strided_slice %add3A_707 {offsets = [0, 0], sizes = [16, 512], strides = [1, 1]} : vector<16x2048xf32> to vector<16x512xf32>
    %logistic3A_723 = arith.negf %slice3A_722 : vector<16x512xf32>
    %logistic3A_724 = math.exp %logistic3A_723 : vector<16x512xf32>
    %logistic3A_725 = arith.constant 1.000000e+00 : f32
    %logistic3A_726 = vector.broadcast %logistic3A_725 : f32 to vector<16x512xf32>
    %logistic3A_727 = arith.addf %logistic3A_726, %logistic3A_724 : vector<16x512xf32>
    %logistic3A_728 = arith.divf %logistic3A_726, %logistic3A_727 : vector<16x512xf32>
    %slice3A_729 = vector.extract_strided_slice %add3A_707 {offsets = [0, 512], sizes = [16, 512], strides = [1, 1]} : vector<16x2048xf32> to vector<16x512xf32>
    %logistic3A_730 = arith.negf %slice3A_729 : vector<16x512xf32>
    %logistic3A_731 = math.exp %logistic3A_730 : vector<16x512xf32>
    %logistic3A_732 = arith.constant 1.000000e+00 : f32
    %logistic3A_733 = vector.broadcast %logistic3A_732 : f32 to vector<16x512xf32>
    %logistic3A_734 = arith.addf %logistic3A_733, %logistic3A_731 : vector<16x512xf32>
    %logistic3A_735 = arith.divf %logistic3A_733, %logistic3A_734 : vector<16x512xf32>
    %slice3A_736 = vector.extract_strided_slice %add3A_707 {offsets = [0, 1024], sizes = [16, 512], strides = [1, 1]} : vector<16x2048xf32> to vector<16x512xf32>
    %tanh3A_737 = math.tanh %slice3A_736 : vector<16x512xf32>
    %slice3A_738 = vector.extract_strided_slice %add3A_707 {offsets = [0, 1536], sizes = [16, 512], strides = [1, 1]} : vector<16x2048xf32> to vector<16x512xf32>
    %logistic3A_739 = arith.negf %slice3A_738 : vector<16x512xf32>
    %logistic3A_740 = math.exp %logistic3A_739 : vector<16x512xf32>
    %logistic3A_741 = arith.constant 1.000000e+00 : f32
    %logistic3A_742 = vector.broadcast %logistic3A_741 : f32 to vector<16x512xf32>
    %logistic3A_743 = arith.addf %logistic3A_742, %logistic3A_740 : vector<16x512xf32>
    %logistic3A_744 = arith.divf %logistic3A_742, %logistic3A_743 : vector<16x512xf32>
    %mul3A_745 = arith.mulf %logistic3A_735, %add3A_649 : vector<16x512xf32>
    %mul3A_746 = arith.mulf %logistic3A_728, %tanh3A_737 : vector<16x512xf32>
    %add3A_747 = arith.addf %mul3A_745, %mul3A_746 : vector<16x512xf32>
    %tanh3A_748 = math.tanh %add3A_747 : vector<16x512xf32>
    %mul3A_749 = arith.mulf %logistic3A_744, %tanh3A_748 : vector<16x512xf32>
    %convert_element_type3A_750 = arith.truncf %mul3A_749 : vector<16x512xf32> to vector<16x512xbf16>
    %slice3A_751 = vector.extract_strided_slice %add3A_721 {offsets = [0, 0], sizes = [16, 512], strides = [1, 1]} : vector<16x2048xf32> to vector<16x512xf32>
    %logistic3A_752 = arith.negf %slice3A_751 : vector<16x512xf32>
    %logistic3A_753 = math.exp %logistic3A_752 : vector<16x512xf32>
    %logistic3A_754 = arith.constant 1.000000e+00 : f32
    %logistic3A_755 = vector.broadcast %logistic3A_754 : f32 to vector<16x512xf32>
    %logistic3A_756 = arith.addf %logistic3A_755, %logistic3A_753 : vector<16x512xf32>
    %logistic3A_757 = arith.divf %logistic3A_755, %logistic3A_756 : vector<16x512xf32>
    %slice3A_758 = vector.extract_strided_slice %add3A_721 {offsets = [0, 512], sizes = [16, 512], strides = [1, 1]} : vector<16x2048xf32> to vector<16x512xf32>
    %logistic3A_759 = arith.negf %slice3A_758 : vector<16x512xf32>
    %logistic3A_760 = math.exp %logistic3A_759 : vector<16x512xf32>
    %logistic3A_761 = arith.constant 1.000000e+00 : f32
    %logistic3A_762 = vector.broadcast %logistic3A_761 : f32 to vector<16x512xf32>
    %logistic3A_763 = arith.addf %logistic3A_762, %logistic3A_760 : vector<16x512xf32>
    %logistic3A_764 = arith.divf %logistic3A_762, %logistic3A_763 : vector<16x512xf32>
    %slice3A_765 = vector.extract_strided_slice %add3A_721 {offsets = [0, 1024], sizes = [16, 512], strides = [1, 1]} : vector<16x2048xf32> to vector<16x512xf32>
    %tanh3A_766 = math.tanh %slice3A_765 : vector<16x512xf32>
    %slice3A_767 = vector.extract_strided_slice %add3A_721 {offsets = [0, 1536], sizes = [16, 512], strides = [1, 1]} : vector<16x2048xf32> to vector<16x512xf32>
    %logistic3A_768 = arith.negf %slice3A_767 : vector<16x512xf32>
    %logistic3A_769 = math.exp %logistic3A_768 : vector<16x512xf32>
    %logistic3A_770 = arith.constant 1.000000e+00 : f32
    %logistic3A_771 = vector.broadcast %logistic3A_770 : f32 to vector<16x512xf32>
    %logistic3A_772 = arith.addf %logistic3A_771, %logistic3A_769 : vector<16x512xf32>
    %logistic3A_773 = arith.divf %logistic3A_771, %logistic3A_772 : vector<16x512xf32>
    %mul3A_774 = arith.mulf %logistic3A_764, %add3A_678 : vector<16x512xf32>
    %mul3A_775 = arith.mulf %logistic3A_757, %tanh3A_766 : vector<16x512xf32>
    %add3A_776 = arith.addf %mul3A_774, %mul3A_775 : vector<16x512xf32>
    %tanh3A_777 = math.tanh %add3A_776 : vector<16x512xf32>
    %mul3A_778 = arith.mulf %logistic3A_773, %tanh3A_777 : vector<16x512xf32>
    %convert_element_type3A_779 = arith.truncf %mul3A_778 : vector<16x512xf32> to vector<16x512xbf16>
    %swap3A_780 = arith.constant 7 : index
    %swap3A_781 = arith.constant 0 : index
    %swap3A_782 = arith.constant 0 : index
    %swap3A_783 = vector.load %arg3[%swap3A_780, %swap3A_781, %swap3A_782] : memref<8x16x1024xbf16, #tpu.memory_space<vmem>>, vector<1x16x512xbf16>
    %swap3A_784 = vector.shape_cast %swap3A_783 : vector<1x16x512xbf16> to vector<16x512xbf16>
    %swap3A_785 = vector.shape_cast %convert_element_type3A_750 : vector<16x512xbf16> to vector<1x16x512xbf16>
    tpu.vector_store %arg3[%swap3A_780, %swap3A_781, %swap3A_782], %swap3A_785 {strides = array<i32>} : memref<8x16x1024xbf16, #tpu.memory_space<vmem>>, vector<1x16x512xbf16>,
    %swap3A_786 = arith.constant 7 : index
    %swap3A_787 = arith.constant 0 : index
    %swap3A_788 = arith.constant 512 : index
    %swap3A_789 = vector.load %arg3[%swap3A_786, %swap3A_787, %swap3A_788] : memref<8x16x1024xbf16, #tpu.memory_space<vmem>>, vector<1x16x512xbf16>
    %swap3A_790 = vector.shape_cast %swap3A_789 : vector<1x16x512xbf16> to vector<16x512xbf16>
    %swap3A_791 = vector.shape_cast %convert_element_type3A_779 : vector<16x512xbf16> to vector<1x16x512xbf16>
    tpu.vector_store %arg3[%swap3A_786, %swap3A_787, %swap3A_788], %swap3A_791 {strides = array<i32>} : memref<8x16x1024xbf16, #tpu.memory_space<vmem>>, vector<1x16x512xbf16>,
    %swap3A_792 = arith.constant 0 : index
    %swap3A_793 = arith.constant 0 : index
    %swap3A_794 = vector.load %arg4[%swap3A_792, %swap3A_793] : memref<16x1024xf32, #tpu.memory_space<vmem>>, vector<16x512xf32>
    tpu.vector_store %arg4[%swap3A_792, %swap3A_793], %mul3A_749 {strides = array<i32>} : memref<16x1024xf32, #tpu.memory_space<vmem>>, vector<16x512xf32>,
    %swap3A_795 = arith.constant 0 : index
    %swap3A_796 = arith.constant 512 : index
    %swap3A_797 = vector.load %arg4[%swap3A_795, %swap3A_796] : memref<16x1024xf32, #tpu.memory_space<vmem>>, vector<16x512xf32>
    tpu.vector_store %arg4[%swap3A_795, %swap3A_796], %mul3A_778 {strides = array<i32>} : memref<16x1024xf32, #tpu.memory_space<vmem>>, vector<16x512xf32>,
    %swap3A_798 = arith.constant 0 : index
    %swap3A_799 = arith.constant 0 : index
    %swap3A_800 = vector.load %arg5[%swap3A_798, %swap3A_799] : memref<16x1024xf32, #tpu.memory_space<vmem>>, vector<16x512xf32>
    tpu.vector_store %arg5[%swap3A_798, %swap3A_799], %add3A_747 {strides = array<i32>} : memref<16x1024xf32, #tpu.memory_space<vmem>>, vector<16x512xf32>,
    %swap3A_801 = arith.constant 0 : index
    %swap3A_802 = arith.constant 512 : index
    %swap3A_803 = vector.load %arg5[%swap3A_801, %swap3A_802] : memref<16x1024xf32, #tpu.memory_space<vmem>>, vector<16x512xf32>
    tpu.vector_store %arg5[%swap3A_801, %swap3A_802], %add3A_776 {strides = array<i32>} : memref<16x1024xf32, #tpu.memory_space<vmem>>, vector<16x512xf32>,
    %swap3A_804 = arith.constant 0 : index
    %swap3A_805 = arith.constant 0 : index
    %swap3A_806 = vector.load %arg7[%swap3A_804, %swap3A_805] : memref<16x512xbf16, #tpu.memory_space<vmem>>, vector<16x512xbf16>
    tpu.vector_store %arg7[%swap3A_804, %swap3A_805], %convert_element_type3A_750 {strides = array<i32>} : memref<16x512xbf16, #tpu.memory_space<vmem>>, vector<16x512xbf16>,
    %swap3A_807 = arith.constant 0 : index
    %swap3A_808 = arith.constant 0 : index
    %swap3A_809 = vector.load %arg8[%swap3A_807, %swap3A_808] : memref<16x512xbf16, #tpu.memory_space<vmem>>, vector<16x512xbf16>
    tpu.vector_store %arg8[%swap3A_807, %swap3A_808], %convert_element_type3A_779 {strides = array<i32>} : memref<16x512xbf16, #tpu.memory_space<vmem>>, vector<16x512xbf16>,
    return
  }
  func.func @transform_0(%arg0: i32) -> (i32, i32, i32) {
    %c0_i32 = arith.constant 0 : i32
    %c0_i32_0 = arith.constant 0 : i32
    %c0_i32_1 = arith.constant 0 : i32
    return %arg0, %c0_i32, %c0_i32_0 : i32, i32, i32
  }
  func.func @transform_1(%arg0: i32) -> (i32, i32) {
    %c0_i32 = arith.constant 0 : i32
    %c0_i32_0 = arith.constant 0 : i32
    %c0_i32_1 = arith.constant 0 : i32
    return %c0_i32, %c0_i32_0 : i32, i32
  }
  func.func @transform_2(%arg0: i32) -> (i32, i32, i32) {
    %c0_i32 = arith.constant 0 : i32
    %c0_i32_0 = arith.constant 0 : i32
    %c0_i32_1 = arith.constant 0 : i32
    return %arg0, %c0_i32, %c0_i32_0 : i32, i32, i32
  }
  func.func @transform_3(%arg0: i32) -> (i32, i32) {
    %c0_i32 = arith.constant 0 : i32
    %c0_i32_0 = arith.constant 0 : i32
    %c0_i32_1 = arith.constant 0 : i32
    return %c0_i32, %c0_i32_0 : i32, i32
  }
  func.func @transform_4(%arg0: i32) -> (i32, i32) {
    %c0_i32 = arith.constant 0 : i32
    %c0_i32_0 = arith.constant 0 : i32
    %c0_i32_1 = arith.constant 0 : i32
    return %c0_i32, %c0_i32_0 : i32, i32
  }
}

module attributes {stable_mosaic.version = 14 : i64} {
  func.func @_mm_body(%arg0: i32, %arg1: i32, %arg2: memref<4096x1024xbf16, #tpu.memory_space<vmem>>, %arg3: memref<1024x512xf32, #tpu.memory_space<vmem>>, %arg4: memref<1x512xf32, #tpu.memory_space<vmem>>, %arg5: memref<4096x512xbf16, #tpu.memory_space<vmem>>) attributes {dimension_semantics = [#tpu.dimension_semantics<arbitrary>, #tpu.dimension_semantics<arbitrary>], iteration_bounds = array<i64: 1, 8>, scalar_prefetch = 0 : i64, scratch_operands = 0 : i64, tpu.core_type = #tpu.core_type<tc>, window_params = [{transform_indices = @transform_0, window_bounds = array<i64: 4096, 1024>}, {transform_indices = @transform_1, window_bounds = array<i64: 1024, 512>}, {transform_indices = @transform_2, window_bounds = array<i64: 1, 512>}, {transform_indices = @transform_3, window_bounds = array<i64: 4096, 512>}]} {
    %get3A = arith.constant 0 : index
    %get3A_0 = arith.constant 0 : index
    %get3A_1 = vector.load %arg2[%get3A, %get3A_0] : memref<4096x1024xbf16, #tpu.memory_space<vmem>>, vector<4096x1024xbf16>
    %get3A_2 = arith.constant 0 : index
    %get3A_3 = arith.constant 0 : index
    %get3A_4 = vector.load %arg3[%get3A_2, %get3A_3] : memref<1024x512xf32, #tpu.memory_space<vmem>>, vector<1024x512xf32>
    %convert_element_type3A = arith.truncf %get3A_4 : vector<1024x512xf32> to vector<1024x512xbf16>
    %dot_general3A = arith.constant dense<0.000000e+00> : vector<4096x512xf32>
    %dot_general3A_5 = tpu.matmul %get3A_1, %convert_element_type3A, %dot_general3A {dimension_numbers = #tpu.dot_dimension_numbers<[1], [0], [0], [1], [0, 0, 1, 1], [], []>, transpose_lhs_hint = false} : vector<4096x1024xbf16>, vector<1024x512xbf16>, vector<4096x512xf32> -> vector<4096x512xf32>
    %get3A_6 = arith.constant 0 : index
    %get3A_7 = arith.constant 0 : index
    %get3A_8 = vector.load %arg4[%get3A_6, %get3A_7] : memref<1x512xf32, #tpu.memory_space<vmem>>, vector<1x512xf32>
    %add3A = vector.broadcast %get3A_8 : vector<1x512xf32> to vector<4096x512xf32>
    %add3A_9 = arith.addf %dot_general3A_5, %add3A : vector<4096x512xf32>
    %convert_element_type3A_10 = arith.truncf %add3A_9 : vector<4096x512xf32> to vector<4096x512xbf16>
    %swap3A = arith.constant 0 : index
    %swap3A_11 = arith.constant 0 : index
    %swap3A_12 = vector.load %arg5[%swap3A, %swap3A_11] : memref<4096x512xbf16, #tpu.memory_space<vmem>>, vector<4096x512xbf16>
    tpu.vector_store %arg5[%swap3A, %swap3A_11], %convert_element_type3A_10 {strides = array<i32>} : memref<4096x512xbf16, #tpu.memory_space<vmem>>, vector<4096x512xbf16>,
    return
  }
  func.func @transform_0(%arg0: i32, %arg1: i32) -> (i32, i32) {
    %c0_i32 = arith.constant 0 : i32
    %c0_i32_0 = arith.constant 0 : i32
    return %arg0, %c0_i32 : i32, i32
  }
  func.func @transform_1(%arg0: i32, %arg1: i32) -> (i32, i32) {
    %jit3A = arith.constant 4 : i32
    %eq3A = arith.constant 0 : i32
    %eq3A_0 = arith.cmpi eq, %jit3A, %eq3A : i32
    %jit3A_1 = arith.constant 1 : i32
    %select_n3A = arith.select %eq3A_0, %jit3A_1, %jit3A : i32
    %rem3A = arith.remsi %arg1, %select_n3A : i32
    %ne3A = arith.constant 0 : i32
    %ne3A_2 = arith.cmpi ne, %rem3A, %ne3A : i32
    %lt3A = arith.constant 0 : i32
    %lt3A_3 = arith.cmpi slt, %rem3A, %lt3A : i32
    %lt3A_4 = arith.constant 0 : i32
    %lt3A_5 = arith.cmpi slt, %select_n3A, %lt3A_4 : i32
    %ne3A_6 = arith.xori %lt3A_3, %lt3A_5 : i1
    %and3A = arith.andi %ne3A_6, %ne3A_2 : i1
    %add3A = arith.addi %rem3A, %select_n3A : i32
    %select_n3A_7 = arith.select %and3A, %add3A, %rem3A : i32
    %mul3A = arith.constant 2 : i32
    %mul3A_8 = arith.muli %mul3A, %select_n3A_7 : i32
    %jit3A_9 = arith.constant 4 : i32
    %div3A = arith.divsi %arg1, %jit3A_9 : i32
    %sign3A = arith.constant 0 : i32
    %sign3A_10 = arith.cmpi sgt, %arg1, %sign3A : i32
    %sign3A_11 = arith.extui %sign3A_10 : i1 to i32
    %sign3A_12 = arith.constant 0 : i32
    %sign3A_13 = arith.cmpi slt, %arg1, %sign3A_12 : i32
    %sign3A_14 = arith.extui %sign3A_13 : i1 to i32
    %sign3A_15 = arith.subi %sign3A_11, %sign3A_14 : i32
    %sign3A_16 = arith.constant 0 : i32
    %sign3A_17 = arith.cmpi sgt, %jit3A_9, %sign3A_16 : i32
    %sign3A_18 = arith.extui %sign3A_17 : i1 to i32
    %sign3A_19 = arith.constant 0 : i32
    %sign3A_20 = arith.cmpi slt, %jit3A_9, %sign3A_19 : i32
    %sign3A_21 = arith.extui %sign3A_20 : i1 to i32
    %sign3A_22 = arith.subi %sign3A_18, %sign3A_21 : i32
    %ne3A_23 = arith.cmpi ne, %sign3A_15, %sign3A_22 : i32
    %rem3A_24 = arith.remsi %arg1, %jit3A_9 : i32
    %ne3A_25 = arith.constant 0 : i32
    %ne3A_26 = arith.cmpi ne, %rem3A_24, %ne3A_25 : i32
    %and3A_27 = arith.andi %ne3A_23, %ne3A_26 : i1
    %sub3A = arith.constant 1 : i32
    %sub3A_28 = arith.subi %div3A, %sub3A : i32
    %select_n3A_29 = arith.select %and3A_27, %sub3A_28, %div3A : i32
    %add3A_30 = arith.addi %mul3A_8, %select_n3A_29 : i32
    %c0_i32 = arith.constant 0 : i32
    %c0_i32_31 = arith.constant 0 : i32
    return %c0_i32, %add3A_30 : i32, i32
  }
  func.func @transform_2(%arg0: i32, %arg1: i32) -> (i32, i32) {
    %jit3A = arith.constant 4 : i32
    %eq3A = arith.constant 0 : i32
    %eq3A_0 = arith.cmpi eq, %jit3A, %eq3A : i32
    %jit3A_1 = arith.constant 1 : i32
    %select_n3A = arith.select %eq3A_0, %jit3A_1, %jit3A : i32
    %rem3A = arith.remsi %arg1, %select_n3A : i32
    %ne3A = arith.constant 0 : i32
    %ne3A_2 = arith.cmpi ne, %rem3A, %ne3A : i32
    %lt3A = arith.constant 0 : i32
    %lt3A_3 = arith.cmpi slt, %rem3A, %lt3A : i32
    %lt3A_4 = arith.constant 0 : i32
    %lt3A_5 = arith.cmpi slt, %select_n3A, %lt3A_4 : i32
    %ne3A_6 = arith.xori %lt3A_3, %lt3A_5 : i1
    %and3A = arith.andi %ne3A_6, %ne3A_2 : i1
    %add3A = arith.addi %rem3A, %select_n3A : i32
    %select_n3A_7 = arith.select %and3A, %add3A, %rem3A : i32
    %mul3A = arith.constant 2 : i32
    %mul3A_8 = arith.muli %mul3A, %select_n3A_7 : i32
    %jit3A_9 = arith.constant 4 : i32
    %div3A = arith.divsi %arg1, %jit3A_9 : i32
    %sign3A = arith.constant 0 : i32
    %sign3A_10 = arith.cmpi sgt, %arg1, %sign3A : i32
    %sign3A_11 = arith.extui %sign3A_10 : i1 to i32
    %sign3A_12 = arith.constant 0 : i32
    %sign3A_13 = arith.cmpi slt, %arg1, %sign3A_12 : i32
    %sign3A_14 = arith.extui %sign3A_13 : i1 to i32
    %sign3A_15 = arith.subi %sign3A_11, %sign3A_14 : i32
    %sign3A_16 = arith.constant 0 : i32
    %sign3A_17 = arith.cmpi sgt, %jit3A_9, %sign3A_16 : i32
    %sign3A_18 = arith.extui %sign3A_17 : i1 to i32
    %sign3A_19 = arith.constant 0 : i32
    %sign3A_20 = arith.cmpi slt, %jit3A_9, %sign3A_19 : i32
    %sign3A_21 = arith.extui %sign3A_20 : i1 to i32
    %sign3A_22 = arith.subi %sign3A_18, %sign3A_21 : i32
    %ne3A_23 = arith.cmpi ne, %sign3A_15, %sign3A_22 : i32
    %rem3A_24 = arith.remsi %arg1, %jit3A_9 : i32
    %ne3A_25 = arith.constant 0 : i32
    %ne3A_26 = arith.cmpi ne, %rem3A_24, %ne3A_25 : i32
    %and3A_27 = arith.andi %ne3A_23, %ne3A_26 : i1
    %sub3A = arith.constant 1 : i32
    %sub3A_28 = arith.subi %div3A, %sub3A : i32
    %select_n3A_29 = arith.select %and3A_27, %sub3A_28, %div3A : i32
    %add3A_30 = arith.addi %mul3A_8, %select_n3A_29 : i32
    %c0_i32 = arith.constant 0 : i32
    %c0_i32_31 = arith.constant 0 : i32
    return %c0_i32, %add3A_30 : i32, i32
  }
  func.func @transform_3(%arg0: i32, %arg1: i32) -> (i32, i32) {
    %c0_i32 = arith.constant 0 : i32
    return %arg0, %arg1 : i32, i32
  }
}

module attributes {stable_mosaic.version = 14 : i64} {
  func.func @_mm_body(%arg0: i32, %arg1: i32, %arg2: memref<4096x1024xbf16, #tpu.memory_space<vmem>>, %arg3: memref<1024x512xf32, #tpu.memory_space<vmem>>, %arg4: memref<1x512xf32, #tpu.memory_space<vmem>>, %arg5: memref<4096x512xf32, #tpu.memory_space<vmem>>) attributes {dimension_semantics = [#tpu.dimension_semantics<arbitrary>, #tpu.dimension_semantics<arbitrary>], iteration_bounds = array<i64: 1, 16>, scalar_prefetch = 0 : i64, scratch_operands = 0 : i64, tpu.core_type = #tpu.core_type<tc>, window_params = [{transform_indices = @transform_0, window_bounds = array<i64: 4096, 1024>}, {transform_indices = @transform_1, window_bounds = array<i64: 1024, 512>}, {transform_indices = @transform_2, window_bounds = array<i64: 1, 512>}, {transform_indices = @transform_3, window_bounds = array<i64: 4096, 512>}]} {
    %get3A = arith.constant 0 : index
    %get3A_0 = arith.constant 0 : index
    %get3A_1 = vector.load %arg2[%get3A, %get3A_0] : memref<4096x1024xbf16, #tpu.memory_space<vmem>>, vector<4096x1024xbf16>
    %get3A_2 = arith.constant 0 : index
    %get3A_3 = arith.constant 0 : index
    %get3A_4 = vector.load %arg3[%get3A_2, %get3A_3] : memref<1024x512xf32, #tpu.memory_space<vmem>>, vector<1024x512xf32>
    %convert_element_type3A = arith.truncf %get3A_4 : vector<1024x512xf32> to vector<1024x512xbf16>
    %dot_general3A = arith.constant dense<0.000000e+00> : vector<4096x512xf32>
    %dot_general3A_5 = tpu.matmul %get3A_1, %convert_element_type3A, %dot_general3A {dimension_numbers = #tpu.dot_dimension_numbers<[1], [0], [0], [1], [0, 0, 1, 1], [], []>, transpose_lhs_hint = false} : vector<4096x1024xbf16>, vector<1024x512xbf16>, vector<4096x512xf32> -> vector<4096x512xf32>
    %get3A_6 = arith.constant 0 : index
    %get3A_7 = arith.constant 0 : index
    %get3A_8 = vector.load %arg4[%get3A_6, %get3A_7] : memref<1x512xf32, #tpu.memory_space<vmem>>, vector<1x512xf32>
    %add3A = vector.broadcast %get3A_8 : vector<1x512xf32> to vector<4096x512xf32>
    %add3A_9 = arith.addf %dot_general3A_5, %add3A : vector<4096x512xf32>
    %swap3A = arith.constant 0 : index
    %swap3A_10 = arith.constant 0 : index
    %swap3A_11 = vector.load %arg5[%swap3A, %swap3A_10] : memref<4096x512xf32, #tpu.memory_space<vmem>>, vector<4096x512xf32>
    tpu.vector_store %arg5[%swap3A, %swap3A_10], %add3A_9 {strides = array<i32>} : memref<4096x512xf32, #tpu.memory_space<vmem>>, vector<4096x512xf32>,
    return
  }
  func.func @transform_0(%arg0: i32, %arg1: i32) -> (i32, i32) {
    %c0_i32 = arith.constant 0 : i32
    %c0_i32_0 = arith.constant 0 : i32
    return %arg0, %c0_i32 : i32, i32
  }
  func.func @transform_1(%arg0: i32, %arg1: i32) -> (i32, i32) {
    %c0_i32 = arith.constant 0 : i32
    %c0_i32_0 = arith.constant 0 : i32
    return %c0_i32, %arg1 : i32, i32
  }
  func.func @transform_2(%arg0: i32, %arg1: i32) -> (i32, i32) {
    %c0_i32 = arith.constant 0 : i32
    %c0_i32_0 = arith.constant 0 : i32
    return %c0_i32, %arg1 : i32, i32
  }
  func.func @transform_3(%arg0: i32, %arg1: i32) -> (i32, i32) {
    %c0_i32 = arith.constant 0 : i32
    return %arg0, %arg1 : i32, i32
  }
}

</mosaic_0001>

<sc_bundles>
// kernel: kernel.8.cloned.1.call-start
scs
__scs_entry_jumppad:
0x0: {  	(pc) =	sbr.rel $0x88, $3  }
0x1: {  	(tag) =	ssettag $0x0;
	lr =	simm.s32 $0x1  }
0x2: {  	[smem:$0x3F95] =	sst lr;
	_ =	strace $0xD0000000  }
0x3: {  	_ = 	snop  }
0x4: {  	_ = 	snop  }
0x5: {  	_ = 	snop  }
0x6: {  	_ = 	snop  }
0x7: {  	_ = 	snop  }
__scs_overlays_trampoline_lowered:
0x8: {  	[smem:$0x3FA4] =	sst s0  }
0x9: {  	[smem:$0x3FA5] =	sst s1  }
0xa: {  	[smem:$0x3FA6] =	sst s2  }
0xb: {  	[smem:$0x3FA7] =	sst s3  }
0xc: {  	[smem:$0x3FA8] =	sst s4  }
0xd: {  	[smem:$0x3FA9] =	sst s5  }
0xe: {  	[smem:$0x3FAA] =	sst s6  }
0xf: {  	[smem:$0x3FAB] =	sst s7  }
0x10: {  	[smem:$0x3FAC] =	sst s8  }
0x11: {  	[smem:$0x3FAD] =	sst s9;
	s0 =	simm.s32 @!p0 $0x0  }
0x12: {  	s1 =	sld [smem:$0x3F93];
	s0 =	simm.s32 @p0 $0x1  }
0x13: {  	[smem:$0x3FAE] =	sst s0;
	s0 =	simm.s32 @!p1 $0x0  }
0x14: {  	s2 =	sld [smem:$0x3F92];
	s0 =	simm.s32 @p1 $0x1  }
0x15: {  	[smem:$0x3FAF] =	sst s0;
	s0 =	simm.s32 @!p2 $0x0  }
0x16: {  	s3 =	sld [smem:$0x3FDB];
	s0 =	simm.s32 @p2 $0x1  }
0x17: {  	s4 =	simm.s32 $0x1BF5;
	[smem:$0x3FB1] =	sst s0  }
0x18: {  	s0 =	sld [smem:$0x3F94];
	_ =	swait.ge [sflag:s4], $0x0  }
0x19: {  	s7 =	sld [smem:$0x3F95]  }
0x1a: {  	s8 =	sadd.s32 $0xFFFFE003, lr  }
0x1b: {  	s9 =	sadd.s32 $0xFFFFFEF7, lr;
	s5 =	simm.s32 $0xFFFFFFFF;
	p2 =	slt.u32 s8, $0xFFFFF086  }
0x1c: {  	p1 =	slt.u32 s9, $0xF7A;
	s5 =	simm.s32 @!p2 $0x0  }
0x1d: {  	s5 =	simm.s32 @p1 $0x1;
	p0 =	seq.s32 s7, s2  }
0x1e: {  	s7 =	smul.u32 @!p0 $0xF7A, s2;
	p2 =	seq.s32 @!p0 s5, $0x0  }
0x1f: {  	s9 =	smul.u32 $0xF7A, s1;
	s8 =	simm.s32 @!p0 $0x1BF5;
	p2 =	por !p2, p0  }
0x20: {  	[sflag:s8] =	ssyncset.s32 @!p0 $0xFFFFF086;
	s6 =	sadd.s32 @!p0 s3, s7;
	s7 =	simm.s32 @!p0 $0x108  }
0x21: {  	s3 =	sadd.s32 s3, s9;
	s6 =	sadd.s32 @!p0 $0x88, s6;
	s7 =	simm.s32 @p2 $0x1082  }
0x22: {  	[simem:s7], [sflag:s8] =	dma.local @!p0 [hbm:s6], $0xF7A  }
0x23: {  	s9 =	sor.u32 $0xD0000000, s2;
	s6 =	simm.s32 $0x108;
	_ =	swait.ge @!p0 [sflag:s8], $0x0  }
0x24: {  	s3 =	sadd.s32 $0x88, s3;
	s6 =	simm.s32 @!p1 $0x1082;
	[sflag:s4] =	ssyncset.s32 $0xFFFFF086  }
0x25: {  	[simem:s6], [sflag:s4] =	dma.local [hbm:s3], $0xF7A  }
0x26: {  	[smem:$0x3F95] =	sst s1;
	(tag) =	ssettag s2;
	_ =	strace s9  }
0x27: {  	s1 =	sld [smem:$0x3FA5]  }
0x28: {  	s2 =	sld [smem:$0x3FA6]  }
0x29: {  	s4 =	sld [smem:$0x3FA8]  }
0x2a: {  	p0 =	seq.s32 s5, $0x0;
	s5 =	sld [smem:$0x3FA9]  }
0x2b: {  	s6 =	sld [smem:$0x3FAA]  }
0x2c: {  	s7 =	sld [smem:$0x3FAB]  }
0x2d: {  	s3 =	simm.s32 $0x108;
	s8 =	sld [smem:$0x3FAC]  }
0x2e: {  	s3 =	simm.s32 @!p0 $0x1082;
	s9 =	sld [smem:$0x3FAD]  }
0x2f: {  	lr =	sadd.s32 s0, s3;
	s0 =	sld [smem:$0x3FA4]  }
0x30: {  	s3 =	sld [smem:$0x3FA7]  }
0x31: {  	[smem:$0x3FB0] =	sst s10  }
0x32: {  	s10 =	sld [smem:$0x3FAE];
	_ =	sdelay $0x3  }
0x33: {  	p0 =	seq.s32 s10, $0x1;
	s10 =	sld [smem:$0x3FB0];
	_ =	sdelay $0x3  }
0x34: {  	[smem:$0x3FB0] =	sst s10  }
0x35: {  	s10 =	sld [smem:$0x3FAF];
	_ =	sdelay $0x3  }
0x36: {  	p1 =	seq.s32 s10, $0x1;
	s10 =	sld [smem:$0x3FB0];
	_ =	sdelay $0x3  }
0x37: {  	[smem:$0x3FB0] =	sst s10  }
0x38: {  	s10 =	sld [smem:$0x3FB1]  }
0x39: {  	_ = 	snop;
	(pc) =	sbr.ind lr, $3  }
0x3a: {  	_ = 	snop  }
0x3b: {  	_ = 	snop  }
0x3c: {  	p2 =	seq.s32 s10, $0x1;
	s10 =	sld [smem:$0x3FB0]  }
0x3d: {  	_ =	shalt  }
0x3e: {  	_ =	shalt  }
0x3f: {  	_ =	shalt  }
0x40: {  	_ =	shalt  }
0x41: {  	_ =	shalt  }
0x42: {  	_ =	shalt  }
0x43: {  	_ =	shalt  }
0x44: {  	_ =	shalt  }
0x45: {  	_ =	shalt  }
0x46: {  	_ =	shalt  }
0x47: {  	_ =	shalt  }
0x48: {  	_ =	shalt  }
0x49: {  	_ =	shalt  }
0x4a: {  	_ =	shalt  }
0x4b: {  	_ =	shalt  }
0x4c: {  	_ =	shalt  }
0x4d: {  	_ =	shalt  }
0x4e: {  	_ =	shalt  }
0x4f: {  	_ =	shalt  }
0x50: {  	_ =	shalt  }
0x51: {  	_ =	shalt  }
0x52: {  	_ =	shalt  }
0x53: {  	_ =	shalt  }
0x54: {  	_ =	shalt  }
0x55: {  	_ =	shalt  }
0x56: {  	_ =	shalt  }
0x57: {  	_ =	shalt  }
0x58: {  	_ =	shalt  }
0x59: {  	_ =	shalt  }
0x5a: {  	_ =	shalt  }
0x5b: {  	_ =	shalt  }
0x5c: {  	_ =	shalt  }
0x5d: {  	_ =	shalt  }
0x5e: {  	_ =	shalt  }
0x5f: {  	_ =	shalt  }
0x60: {  	_ =	shalt  }
0x61: {  	_ =	shalt  }
0x62: {  	_ =	shalt  }
0x63: {  	_ =	shalt  }
0x64: {  	_ =	shalt  }
0x65: {  	_ =	shalt  }
0x66: {  	_ =	shalt  }
0x67: {  	_ =	shalt  }
0x68: {  	_ =	shalt  }
0x69: {  	_ =	shalt  }
0x6a: {  	_ =	shalt  }
0x6b: {  	_ =	shalt  }
0x6c: {  	_ =	shalt  }
0x6d: {  	_ =	shalt  }
0x6e: {  	_ =	shalt  }
0x6f: {  	_ =	shalt  }
0x70: {  	_ =	shalt  }
0x71: {  	_ =	shalt  }
0x72: {  	_ =	shalt  }
0x73: {  	_ =	shalt  }
0x74: {  	_ =	shalt  }
0x75: {  	_ =	shalt  }
0x76: {  	_ =	shalt  }
0x77: {  	_ =	shalt  }
0x78: {  	_ =	shalt  }
0x79: {  	_ =	shalt  }
0x7a: {  	_ =	shalt  }
0x7b: {  	_ =	shalt  }
0x7c: {  	_ =	shalt  }
0x7d: {  	_ =	shalt  }
0x7e: {  	_ =	shalt  }
0x7f: {  	_ =	shalt  }
0x80: {  	_ =	shalt  }
0x81: {  	_ =	shalt  }
0x82: {  	_ =	shalt  }
0x83: {  	_ =	shalt  }
0x84: {  	_ =	shalt  }
0x85: {  	_ =	shalt  }
0x86: {  	_ =	shalt  }
0x87: {  	_ =	shalt  }
.Lfunc_end0:
.L_simem_size_0:
called_computation_lowered:
.L_overlay_start_0:
0x88: {  	s2 =	sld [smem:$0x3FD9]  }
0x89: {  	s3 =	sld [smem:$0x3FFE];
	_ =	sdelay $0x1  }
0x8a: {  	s1 =	srdreg.scid  }
0x8b: {  	s0 =	sand.u32 $0x1, s1  }
0x8c: {  	s15 =	sshll.u32 s0, $0xA;
	s2 =	sadd.s32 s3, s2  }
0x8d: {  	s2 =	sadd.s32 s2, s15  }
0x8e: {  	[smem:$0x3FBC] =	sst s2  }
0x8f: {  	_ = 	snop  }
0x90: {  	s2 =	sld [smem:$0x3FD0];
	_ =	sdelay $0x2  }
0x91: {  	s4 =	simm.s32 $0xA;
	s5 =	simm.s32 $0x10;
	s16 =	sld [smem:$0x3FC8]  }
0x92: {  	[smem:s5], [sflag:s4] =	dma.local [hbm:s2], $0x1  }
0x93: {  	_ =	swait.eq [sflag:s4], $0x1  }
0x94: {  	[sflag:s4] =	ssyncset.done $0x0  }
0x95: {  	s17 =	sld [smem:$0x10];
	[sflag:s4] =	ssyncadd.s32 $0xFFFFFFFF  }
0x96: {  	s18 =	sld [smem:$0x12];
	(tm) =	ssettm $0x1  }
0x97: {  	s19 =	sld [smem:$0x3FFB];
	_ =	sdelay $0x3  }
0x98: {  	_ =	strace s19  }
0x99: {  	s5 =	sld [smem:$0x3FFC];
	_ =	sdelay $0x3  }
0x9a: {  	_ =	strace s5  }
0x9b: {  	s5 =	sld [smem:$0x3FFD];
	_ =	sdelay $0x3  }
0x9c: {  	_ =	strace s5  }
0x9d: {  	_ =	strace $0x8FFFFFFF  }
0x9e: {  	s20 =	sld [smem:$0x3FDB];
	_ =	sdelay $0x1  }
0x9f: {  	s6 =	simm.s32 $_scs_section_size  }
0xa0: {  	s7 =	simm.s32 $_size__tile_overlayer_lowered;
	s8 =	simm.s32 $_tile_overlayer_lowered  }
0xa1: {  	s23 =	simm.s32 $0x1BFF;
	s22 =	sshll.u32 s8, $0x1;
	s5 =	sadd.s32 s6, s20  }
0xa2: {  	s9 =	simm.s32 $0x0;
	s21 =	sshll.u32 s7, $0x1;
	s7 =	sadd.s32 s22, s5  }
0xa3: {  	[timem:s9], [sflag:s23] =	dma.local [hbm:s7], s21  }
0xa4: {  	_ =	swait.ge [sflag:s23], s21  }
0xa5: {  	s6 =	ssub.s32 $0x0, s21;
	[sflag:s23] =	ssyncset.done $0x0  }
0xa6: {  	[sflag:s23] =	ssyncadd.s32 s6;
	_ =	sdelay $0x1  }
0xa7: {  	s24 =	simm.s32 $0x1B8B  }
0xa8: {  	_ =	swait.ge [sflag:s24], $0x1  }
0xa9: {  	[sflag:s24] =	ssyncset.done $0x0  }
0xaa: {  	s25 =	simm.s32 $0x1B8E;
	[sflag:s24] =	ssyncadd.s32 $0xFFFFFFFF  }
0xab: {  	s26 =	simm.s32 $execute0_lowered;
	[smem:$0x3FD2] =	sst s25  }
0xac: {  	s6 =	sshll.u32 s26, $0x1;
	_ =	strace $0x80000046;
	[dreg:$0x1] =	wrdreg $0xFFFFFFFF  }
0xad: {  	s28 =	simm.s32 $_size_execute0_lowered;
	s5 =	sadd.s32 s5, s6;
	[dreg:$0x0] =	wrdreg $0x0  }
0xae: {  	s6 =	sshll.u32 s28, $0x1;
	[dreg:$0x2] =	wrdreg s5  }
0xaf: {  	[dreg:$0x3] =	wrdreg s6  }
0xb0: {  	[dreg:$0x4] =	wrdreg $0xC0  }
0xb1: {  	_ =	task [dreg:s9], $0x5FFFF  }
0xb2: {  	[dreg:$0x1] =	wrdreg $0xFFFFFFFF  }
0xb3: {  	[dreg:$0x0] =	wrdreg $0x60  }
0xb4: {  	[dreg:$0x2] =	wrdreg s16  }
0xb5: {  	[dreg:$0x3] =	wrdreg s18  }
0xb6: {  	[dreg:$0x4] =	wrdreg s17  }
0xb7: {  	[dreg:$0x5] =	wrdreg $0x9  }
0xb8: {  	_ =	task.clear_ibuf [dreg:s9], $0x6FFFF;
	_ =	strace $0x90000046  }
0xb9: {  	s29 =	simm.s32 $0x9;
	_ =	strace $0x80000048  }
0xba: {  	_ =	swait.ge [sflag:s29], $0x1  }
0xbb: {  	[sflag:s29] =	ssyncadd.s32 $0xFFFFFFFF  }
0xbc: {  	_ =	strace $0x90000048  }
0xbd: {  	_ =	sfence  }
0xbe: {  	s30 =	sld [smem:$0x0];
	_ =	sdelay $0x2  }
0xbf: {  	s31 =	sshll.u32 s1, $0xD;
	s1 =	sshrl.u32 s1, $0x2  }
0xc0: {  	s3 =	sand.u32 $0x4000, s31;
	s1 =	sadd.s32 s1, s30  }
0xc1: {  	s0 =	sor.u32 s3, s0;
	s1 =	sshll.u32 s1, $0x11  }
0xc2: {  	s0 =	sor.u32 s1, s0  }
0xc3: {  	s0 =	sadd.s32 $0x8F2B, s0  }
0xc4: {  	[sflag:s0] =	ssyncadd.remote.s32 $0x1  }
0xc5: {  	_ =	sfence.sel $0xFFFF  }
0xc6: {  	[dreg:$0x0] =	wrdreg $0xFFFFFFFF;
	(pc) =	sbr.abs _section_cstart, $3  }
0xc7: {  	[dreg:$0x1] =	wrdreg $0xFFFFFFFF  }
0xc8: {  	_ =	task.clear_ibuf [dreg:s9], $0x2FFFF;
	_ =	strace $0x9FFFFFFF  }
0xc9: {  	(tm) =	ssettm $0x7FFFFFFF  }
tec
execute0_lowered:
.L_overlay_start_1:
0x0: {  	(tag) =	ssettag $0x1  }
0x1: {  	s1 =	rddreg [dreg:$0x0];
	s2 =	srdreg.scid  }
0x2: {  	s4 =	rddreg [dreg:$0x1];
	s0 =	stileid.u32  }
0x3: {  	s5 =	rddreg [dreg:$0x2];
	s3 =	simm.s32 $0x0;
	s18 =	simm.s32 $0x880  }
0x4: {  	s19 =	simm.s32 $0x1080;
	s20 =	simm.s32 $0x1880;
	s21 =	simm.s32 $0x2080  }
0x5: {  	s23 =	simm.s32 $0x2880;
	s24 =	simm.s32 $0x3080;
	s25 =	simm.s32 $0x3880  }
0x6: {  	s26 =	simm.s32 $0x4080;
	s9 =	simm.s32 $0x5080;
	[smem:$0x7FF] =	sst s3  }
0x7: {  	s10 =	simm.s32 $0x5880;
	_ =	strace $0x80000047;
	[dreg:$0x6] =	wrdreg s18  }
0x8: {  	s11 =	simm.s32 $0x6080;
	s12 =	simm.s32 $0x6880;
	[dreg:$0x7] =	wrdreg s19  }
0x9: {  	s13 =	simm.s32 $0x7080;
	s14 =	simm.s32 $0x7880;
	[dreg:$0x8] =	wrdreg s20  }
0xa: {  	s15 =	simm.s32 $0x8080;
	s16 =	simm.s32 $0x8880;
	[dreg:$0x9] =	wrdreg s21  }
0xb: {  	s28 =	simm.s32 $0xE080;
	s29 =	simm.s32 $0xE880;
	[dreg:$0xa] =	wrdreg s23  }
0xc: {  	s30 =	simm.s32 $0xF080;
	s31 =	simm.s32 $0xF880;
	[dreg:$0xb] =	wrdreg s24  }
0xd: {  	s2 =	sand.u32 $0x1, s2;
	s6 =	sshll.u32 s0, $0x8;
	[dreg:$0xc] =	wrdreg s25  }
0xe: {  	s7 =	sshll.u32 s2, $0x7;
	s2 =	ssub.s32 $0x2, s2;
	[dreg:$0xd] =	wrdreg s26  }
0xf: {  	s18 =	simm.s32 $0x9880;
	s19 =	simm.s32 $0xA080;
	s20 =	simm.s32 $0xA880  }
0x10: {  	s21 =	simm.s32 $0xB080;
	s23 =	simm.s32 $0xC080;
	s24 =	simm.s32 $0xC880  }
0x11: {  	s25 =	simm.s32 $0xD080;
	s26 =	simm.s32 $0xD880;
	s6 =	sor.u32 s7, s6  }
0x12: {  	s22 =	sshrl.u32 s2, $0x1;
	s7 =	sshrl.u32 s6, $0x3;
	s6 =	sshll.u32 s6, $0x6  }
0x13: {  	s2 =	ssub.s32 s2, s22;
	s22 =	simm.s32 $0xB880;
	s4 =	sadd.s32 s4, s7  }
0x14: {  	v2 =	vlaneseq.u32;
	s17 =	sadd.s32 s5, s6;
	s5 =	smax.u32 s2, $0x1;
	s6 =	simm.s32 $0x2  }
0x15: {  	vm0 =	vmmov $0xffff;
	v1 =	vshrl.u32 v2, $0x3;
	s7 =	simm.s32 $0x80;
	s2 =	simm.s32 $0x1;
	[dreg:$0x4] =	wrdreg s4  }
0x16: {  	v0 =	vand.u32 $0x7, v2;
	v2 =	vor.u32 $0x8, v2;
	v1 =	vmul.u32 $0x8, v1;
	[dreg:$0x5] =	wrdreg s17;
	s4 =	sadd.s32 $0x100, s1;
	s17 =	simm.s32 $0x9080  }
.LBB2_1:
0x17: {  	s0 =	rddreg [dreg:$0x4]  }
0x18: {  	[tilespmem:s3], [sflag:$0x2] =	stream.linear.gather [hbm4b:s0+s3], $0x80, $0x38;
	[tilespmem:$0x10080] =	vst v63  }
0x19: {  	_ =	swait.ge [sflag:s6], $0x80  }
0x1a: {  	[sflag:s6] =	ssyncset.done $0x0  }
0x1b: {  	[sflag:s6] =	ssyncadd.s32 $0xFFFFFF80  }
0x1c: {  	v3 =	vld [tilespmem:$0x0];
	_ =	sdelay $0x4  }
0x1d: {  	v4 =	vshll.u32 v3, $0x2  }
0x1e: {  	v3 =	vand.u32 $0x7, v3;
	v4 =	vand.u32 $0xFFFFFFE0, v4  }
0x1f: {  	v3 =	vor.u32 v3, v4  }
0x20: {  	v4 =	vperm.xlane v3, v0;
	_ =	sdelay $0x1  }
0x21: {  	v4 =	vadd.s32 v1, v4;
	_ =	sdelay $0x1  }
0x22: {  	v3 =	vperm.xlane v3, v2;
	_ =	sdelay $0x1  }
0x23: {  	v3 =	vadd.s32 v1, v3  }
0x24: {  	[tilespmem:s7], [sflag:$0x1] =	stream.indirect_vreg.gather [hbm4b:s1+s3], $0x80, v4, vm0, $0xb8;
	[tilespmem:$0x10080] =	vst v63  }
0x25: {  	s0 =	rddreg [dreg:$0x6]  }
0x26: {  	[tilespmem:s0], [sflag:$0x1] =	stream.indirect_vreg.gather [hbm4b:s4+s3], $0x80, v4, vm0, $0xb8;
	[tilespmem:$0x10080] =	vst v63  }
0x27: {  	s8 =	rddreg [dreg:$0x7]  }
0x28: {  	[tilespmem:s8], [sflag:$0x1] =	stream.indirect_vreg.gather [hbm4b:s1+s3], $0x80, v3, vm0, $0xb8;
	[tilespmem:$0x10080] =	vst v63  }
0x29: {  	s0 =	rddreg [dreg:$0x8]  }
0x2a: {  	[tilespmem:s0], [sflag:$0x1] =	stream.indirect_vreg.gather [hbm4b:s4+s3], $0x80, v3, vm0, $0xb8;
	[tilespmem:$0x10080] =	vst v63  }
0x2b: {  	v3 =	vld [tilespmem:$0x10];
	_ =	sdelay $0x4  }
0x2c: {  	v57 =	vshll.u32 v3, $0x2  }
0x2d: {  	v3 =	vand.u32 $0x7, v3;
	v4 =	vand.u32 $0xFFFFFFE0, v57  }
0x2e: {  	v3 =	vor.u32 v3, v4  }
0x2f: {  	v4 =	vperm.xlane v3, v0;
	_ =	sdelay $0x1  }
0x30: {  	v4 =	vadd.s32 v1, v4;
	_ =	sdelay $0x1  }
0x31: {  	v3 =	vperm.xlane v3, v2;
	_ =	sdelay $0x1  }
0x32: {  	s0 =	rddreg [dreg:$0x9];
	v3 =	vadd.s32 v1, v3  }
0x33: {  	[tilespmem:s0], [sflag:$0x1] =	stream.indirect_vreg.gather [hbm4b:s1+s3], $0x80, v4, vm0, $0xb8;
	[tilespmem:$0x10080] =	vst v63  }
0x34: {  	s8 =	rddreg [dreg:$0xa]  }
0x35: {  	[tilespmem:s8], [sflag:$0x1] =	stream.indirect_vreg.gather [hbm4b:s4+s3], $0x80, v4, vm0, $0xb8;
	[tilespmem:$0x10080] =	vst v63  }
0x36: {  	s0 =	rddreg [dreg:$0xb]  }
0x37: {  	[tilespmem:s0], [sflag:$0x1] =	stream.indirect_vreg.gather [hbm4b:s1+s3], $0x80, v3, vm0, $0xb8;
	[tilespmem:$0x10080] =	vst v63  }
0x38: {  	s8 =	rddreg [dreg:$0xc]  }
0x39: {  	[tilespmem:s8], [sflag:$0x1] =	stream.indirect_vreg.gather [hbm4b:s4+s3], $0x80, v3, vm0, $0xb8;
	[tilespmem:$0x10080] =	vst v63  }
0x3a: {  	v3 =	vld [tilespmem:$0x20];
	_ =	sdelay $0x4  }
0x3b: {  	v58 =	vshll.u32 v3, $0x2  }
0x3c: {  	v3 =	vand.u32 $0x7, v3;
	v4 =	vand.u32 $0xFFFFFFE0, v58  }
0x3d: {  	v3 =	vor.u32 v3, v4  }
0x3e: {  	v4 =	vperm.xlane v3, v0;
	_ =	sdelay $0x1  }
0x3f: {  	v4 =	vadd.s32 v1, v4;
	_ =	sdelay $0x1  }
0x40: {  	v3 =	vperm.xlane v3, v2;
	_ =	sdelay $0x1  }
0x41: {  	s8 =	rddreg [dreg:$0xd];
	v3 =	vadd.s32 v1, v3  }
0x42: {  	[tilespmem:s8], [sflag:$0x1] =	stream.indirect_vreg.gather [hbm4b:s1+s3], $0x80, v4, vm0, $0xb8;
	[tilespmem:$0x10080] =	vst v63  }
0x43: {  	s8 =	simm.s32 $0x4880  }
0x44: {  	[tilespmem:s8], [sflag:$0x1] =	stream.indirect_vreg.gather [hbm4b:s4+s3], $0x80, v4, vm0, $0xb8;
	[tilespmem:$0x10080] =	vst v63  }
0x45: {  	_ = 	snop  }
0x46: {  	[tilespmem:s9], [sflag:$0x1] =	stream.indirect_vreg.gather [hbm4b:s1+s3], $0x80, v3, vm0, $0xb8;
	[tilespmem:$0x10080] =	vst v63  }
0x47: {  	_ = 	snop  }
0x48: {  	[tilespmem:s10], [sflag:$0x1] =	stream.indirect_vreg.gather [hbm4b:s4+s3], $0x80, v3, vm0, $0xb8;
	[tilespmem:$0x10080] =	vst v63  }
0x49: {  	v3 =	vld [tilespmem:$0x30];
	_ =	sdelay $0x4  }
0x4a: {  	v59 =	vshll.u32 v3, $0x2  }
0x4b: {  	v3 =	vand.u32 $0x7, v3;
	v4 =	vand.u32 $0xFFFFFFE0, v59  }
0x4c: {  	v3 =	vor.u32 v3, v4  }
0x4d: {  	v4 =	vperm.xlane v3, v0;
	_ =	sdelay $0x1  }
0x4e: {  	v4 =	vadd.s32 v1, v4;
	_ =	sdelay $0x1  }
0x4f: {  	v3 =	vperm.xlane v3, v2;
	_ =	sdelay $0x1  }
0x50: {  	v3 =	vadd.s32 v1, v3  }
0x51: {  	[tilespmem:s11], [sflag:$0x1] =	stream.indirect_vreg.gather [hbm4b:s1+s3], $0x80, v4, vm0, $0xb8;
	[tilespmem:$0x10080] =	vst v63  }
0x52: {  	_ = 	snop  }
0x53: {  	[tilespmem:s12], [sflag:$0x1] =	stream.indirect_vreg.gather [hbm4b:s4+s3], $0x80, v4, vm0, $0xb8;
	[tilespmem:$0x10080] =	vst v63  }
0x54: {  	_ = 	snop  }
0x55: {  	[tilespmem:s13], [sflag:$0x1] =	stream.indirect_vreg.gather [hbm4b:s1+s3], $0x80, v3, vm0, $0xb8;
	[tilespmem:$0x10080] =	vst v63  }
0x56: {  	_ = 	snop  }
0x57: {  	[tilespmem:s14], [sflag:$0x1] =	stream.indirect_vreg.gather [hbm4b:s4+s3], $0x80, v3, vm0, $0xb8;
	[tilespmem:$0x10080] =	vst v63  }
0x58: {  	v3 =	vld [tilespmem:$0x40];
	_ =	sdelay $0x4  }
0x59: {  	v60 =	vshll.u32 v3, $0x2  }
0x5a: {  	v3 =	vand.u32 $0x7, v3;
	v4 =	vand.u32 $0xFFFFFFE0, v60  }
0x5b: {  	v3 =	vor.u32 v3, v4  }
0x5c: {  	v4 =	vperm.xlane v3, v0;
	_ =	sdelay $0x1  }
0x5d: {  	v4 =	vadd.s32 v1, v4;
	_ =	sdelay $0x1  }
0x5e: {  	v3 =	vperm.xlane v3, v2;
	_ =	sdelay $0x1  }
0x5f: {  	v3 =	vadd.s32 v1, v3  }
0x60: {  	[tilespmem:s15], [sflag:$0x1] =	stream.indirect_vreg.gather [hbm4b:s1+s3], $0x80, v4, vm0, $0xb8;
	[tilespmem:$0x10080] =	vst v63  }
0x61: {  	_ = 	snop  }
0x62: {  	[tilespmem:s16], [sflag:$0x1] =	stream.indirect_vreg.gather [hbm4b:s4+s3], $0x80, v4, vm0, $0xb8;
	[tilespmem:$0x10080] =	vst v63  }
0x63: {  	_ = 	snop  }
0x64: {  	[tilespmem:s17], [sflag:$0x1] =	stream.indirect_vreg.gather [hbm4b:s1+s3], $0x80, v3, vm0, $0xb8;
	[tilespmem:$0x10080] =	vst v63  }
0x65: {  	_ = 	snop  }
0x66: {  	[tilespmem:s18], [sflag:$0x1] =	stream.indirect_vreg.gather [hbm4b:s4+s3], $0x80, v3, vm0, $0xb8;
	[tilespmem:$0x10080] =	vst v63  }
0x67: {  	v3 =	vld [tilespmem:$0x50];
	_ =	sdelay $0x4  }
0x68: {  	v61 =	vshll.u32 v3, $0x2  }
0x69: {  	v3 =	vand.u32 $0x7, v3;
	v4 =	vand.u32 $0xFFFFFFE0, v61  }
0x6a: {  	v3 =	vor.u32 v3, v4  }
0x6b: {  	v4 =	vperm.xlane v3, v0;
	_ =	sdelay $0x1  }
0x6c: {  	v4 =	vadd.s32 v1, v4;
	_ =	sdelay $0x1  }
0x6d: {  	v3 =	vperm.xlane v3, v2;
	_ =	sdelay $0x1  }
0x6e: {  	v3 =	vadd.s32 v1, v3  }
0x6f: {  	[tilespmem:s19], [sflag:$0x1] =	stream.indirect_vreg.gather [hbm4b:s1+s3], $0x80, v4, vm0, $0xb8;
	[tilespmem:$0x10080] =	vst v63  }
0x70: {  	_ = 	snop  }
0x71: {  	[tilespmem:s20], [sflag:$0x1] =	stream.indirect_vreg.gather [hbm4b:s4+s3], $0x80, v4, vm0, $0xb8;
	[tilespmem:$0x10080] =	vst v63  }
0x72: {  	_ = 	snop  }
0x73: {  	[tilespmem:s21], [sflag:$0x1] =	stream.indirect_vreg.gather [hbm4b:s1+s3], $0x80, v3, vm0, $0xb8;
	[tilespmem:$0x10080] =	vst v63  }
0x74: {  	_ = 	snop  }
0x75: {  	[tilespmem:s22], [sflag:$0x1] =	stream.indirect_vreg.gather [hbm4b:s4+s3], $0x80, v3, vm0, $0xb8;
	[tilespmem:$0x10080] =	vst v63  }
0x76: {  	v3 =	vld [tilespmem:$0x60];
	_ =	sdelay $0x4  }
0x77: {  	v62 =	vshll.u32 v3, $0x2  }
0x78: {  	v3 =	vand.u32 $0x7, v3;
	v4 =	vand.u32 $0xFFFFFFE0, v62  }
0x79: {  	v3 =	vor.u32 v3, v4  }
0x7a: {  	v4 =	vperm.xlane v3, v0;
	_ =	sdelay $0x1  }
0x7b: {  	v4 =	vadd.s32 v1, v4;
	_ =	sdelay $0x1  }
0x7c: {  	v3 =	vperm.xlane v3, v2;
	_ =	sdelay $0x1  }
0x7d: {  	v3 =	vadd.s32 v1, v3  }
0x7e: {  	[tilespmem:s23], [sflag:$0x1] =	stream.indirect_vreg.gather [hbm4b:s1+s3], $0x80, v4, vm0, $0xb8;
	[tilespmem:$0x10080] =	vst v63  }
0x7f: {  	_ = 	snop  }
0x80: {  	[tilespmem:s24], [sflag:$0x1] =	stream.indirect_vreg.gather [hbm4b:s4+s3], $0x80, v4, vm0, $0xb8;
	[tilespmem:$0x10080] =	vst v63  }
0x81: {  	_ = 	snop  }
0x82: {  	[tilespmem:s25], [sflag:$0x1] =	stream.indirect_vreg.gather [hbm4b:s1+s3], $0x80, v3, vm0, $0xb8;
	[tilespmem:$0x10080] =	vst v63  }
0x83: {  	_ = 	snop  }
0x84: {  	[tilespmem:s26], [sflag:$0x1] =	stream.indirect_vreg.gather [hbm4b:s4+s3], $0x80, v3, vm0, $0xb8;
	[tilespmem:$0x10080] =	vst v63  }
0x85: {  	v3 =	vld [tilespmem:$0x70];
	_ =	sdelay $0x4  }
0x86: {  	v63 =	vshll.u32 v3, $0x2  }
0x87: {  	v3 =	vand.u32 $0x7, v3;
	v4 =	vand.u32 $0xFFFFFFE0, v63  }
0x88: {  	v3 =	vor.u32 v3, v4  }
0x89: {  	v4 =	vperm.xlane v3, v0;
	_ =	sdelay $0x1  }
0x8a: {  	v4 =	vadd.s32 v1, v4;
	_ =	sdelay $0x1  }
0x8b: {  	v3 =	vperm.xlane v3, v2;
	_ =	sdelay $0x1  }
0x8c: {  	v3 =	vadd.s32 v1, v3  }
0x8d: {  	[tilespmem:s28], [sflag:$0x1] =	stream.indirect_vreg.gather [hbm4b:s1+s3], $0x80, v4, vm0, $0xb8;
	[tilespmem:$0x10080] =	vst v63  }
0x8e: {  	_ = 	snop  }
0x8f: {  	[tilespmem:s29], [sflag:$0x1] =	stream.indirect_vreg.gather [hbm4b:s4+s3], $0x80, v4, vm0, $0xb8;
	[tilespmem:$0x10080] =	vst v63  }
0x90: {  	_ = 	snop  }
0x91: {  	[tilespmem:s30], [sflag:$0x1] =	stream.indirect_vreg.gather [hbm4b:s1+s3], $0x80, v3, vm0, $0xb8;
	[tilespmem:$0x10080] =	vst v63  }
0x92: {  	_ = 	snop  }
0x93: {  	[tilespmem:s31], [sflag:$0x1] =	stream.indirect_vreg.gather [hbm4b:s4+s3], $0x80, v3, vm0, $0xb8;
	[tilespmem:$0x10080] =	vst v63  }
0x94: {  	_ =	swait.ge [sflag:s2], $0x10000  }
0x95: {  	p0 =	sne.s32 s5, $0x1;
	[sflag:s2] =	ssyncset.done $0x0  }
.Ltmp0:
0x96: {  	s8 =	rddreg [dreg:$0x5];
	[sflag:s2] =	ssyncadd.s32 $0xFFFF0000;
	(pc) =	sbr.rel @p0 .LBB2_1-.Ltmp0, $4  }
0x97: {  	[hbm4b:s8+s3] =	stream.linear.scatter [tilespmem:s7], [sflag:$0x2], $0x10000, $0x38;
	[tilespmem:$0x10080] =	vst v63  }
0x98: {  	_ =	swait.ge [sflag:s6], $0x10000  }
0x99: {  	[sflag:s6] =	ssyncset.done $0x0  }
0x9a: {  	s5 =	sadd.s32 $0xFFFFFFFF, s5;
	[sflag:s6] =	ssyncadd.s32 $0xFFFF0000  }
0x9b: {  	_ =	sfence.sel $0x180000  }
0x9c: {  	[bflag:$0x0] =	sbarrier.arrive $0xFFFF  }
0x9d: {  	_ =	strace $0x90000047  }
0x9e: {  	s0 =	stileid.u32;
	[bflag:$0x2] =	sbarrier.arrive $0xFFFF  }
0x9f: {  	p0 =	sne.s32 s0, $0x0;
	s0 =	rddreg [dreg:$0x3]  }
0xa0: {  	s0 =	sadd.s32 @!p0 $0x100000, s0  }
0xa1: {  	[sflag:s0] =	ssyncadd.tile.s32 @!p0 $0x1;
	_ =	shalt  }
.Lfunc_end2:
_tile_overlayer_lowered:
.L_overlay_start_2:
0xa2: {  	(tag) =	ssettag $0x2  }
0xa3: {  	s0 =	rddreg [dreg:$0x0];
	s2 =	stileid.u32  }
0xa4: {  	s1 =	rddreg [dreg:$0x1];
	p0 =	sne.s32 s2, $0x0  }
0xa5: {  	s3 =	rddreg [dreg:$0x2];
	[bflag:$0x3] =	sbarrier.arrive $0xFFFF;
	s2 =	simm.s32 @!p0 $0x1C02  }
0xa6: {  	[timem:s3], [sflag:s2] =	dma.local @!p0 [hbm:s0], s1  }
0xa7: {  	s0 =	simm.s32 @!p0 $0x2  }
0xa8: {  	_ =	swait.ge @!p0 [sflag:s0], s1  }
0xa9: {  	s1 =	ssub.s32 @!p0 $0x0, s1;
	[sflag:s0] =	ssyncset.done @!p0 $0x0  }
0xaa: {  	[sflag:s0] =	ssyncadd.s32 @!p0 s1  }
0xab: {  	[bflag:$0x3] =	sbarrier.arrive $0xFFFF  }
0xac: {  	_ =	shalt  }

</sc_bundles>
